<compile_context>
chip_gen: v7x
topology: tpu7x:2x2x1
jax: 0.10.2.dev20260603
libtpu: 0.0.44.dev20260713+nightly
codegen_flags: <defaults>
</compile_context>

<pallas_src>
import functools

import jax
import jax.numpy as jnp
from jax import lax
from jax.experimental import pallas as pl
from jax.experimental.pallas import tpu as pltpu
from jax.experimental.pallas import tpu_sc as plsc

F32 = jnp.float32

V = 10000
E = 320000
IN_C = 128
OUT_C = 128
K = 4
NUM_REL2 = 64
D = IN_C // K

NC = 2
NS = 16
NW = NC * NS
E_PER_W = E // NW
CHUNK = 80
N_CHUNK = E_PER_W // CHUNK
V_PAD = 10240
V_PER_T = V_PAD // NS
ZROWS = 128

EDGE_B = 1600
N_EB = E // EDGE_B


def _prep_body(node_ref, wn_ref, a2_ref, rel_ref, wrel_ref, s16_ref, relo_ref):
    p = jnp.dot(node_ref[...], wn_ref[...], preferred_element_type=F32)
    s16_ref[...] = jnp.dot(p, a2_ref[...], preferred_element_type=F32)
    relo_ref[...] = jnp.dot(rel_ref[...], wrel_ref[...], preferred_element_type=F32)


def _gather_body(node_hbm, s16_hbm, src_hbm, dst_hbm, hsrc_hbm, sa_hbm,
                 sidx_v, didx_v, rows_v, srows_v, sem):
    wid = lax.axis_index("c") * NS + lax.axis_index("s")
    ebase = wid * E_PER_W

    def step(j, carry):
        base = ebase + j * CHUNK
        pltpu.sync_copy(src_hbm.at[pl.ds(base, CHUNK)], sidx_v)
        pltpu.async_copy(node_hbm.at[sidx_v], rows_v, sem).wait()
        pltpu.sync_copy(rows_v, hsrc_hbm.at[pl.ds(base, CHUNK)])
        pltpu.sync_copy(dst_hbm.at[pl.ds(base, CHUNK)], didx_v)
        pltpu.async_copy(s16_hbm.at[didx_v], srows_v, sem).wait()
        pltpu.sync_copy(srows_v, sa_hbm.at[pl.ds(base, CHUNK)])
        return carry

    lax.fori_loop(0, N_CHUNK, step, 0)


def _edge_body(hsrc_ref, sa_ref, aux_ref, rel_ref, wnr_ref, a1_ref, rrep_ref,
               bd_ref, out_ref):
    hs = hsrc_ref[...]
    et = aux_ref[:, 1:2]
    iot = lax.broadcasted_iota(jnp.int32, (EDGE_B, NUM_REL2), 1).astype(F32)
    onehot = (et == iot).astype(F32)
    relrows = jnp.dot(onehot, rel_ref[...], preferred_element_type=F32)
    ep = jnp.dot(hs * relrows, wnr_ref[...], preferred_element_type=F32)
    att16 = jnp.dot(ep, a1_ref[...], preferred_element_type=F32) + sa_ref[...]
    kmask = (lax.broadcasted_iota(jnp.int32, (EDGE_B, 16), 1) < K).astype(F32)
    att16 = jnp.maximum(att16, 0.0) * kmask
    m = jnp.max(att16, axis=1, keepdims=True)
    e = jnp.exp(att16 - m) * kmask
    att = e / jnp.sum(e, axis=1, keepdims=True)
    full = jnp.dot(att, rrep_ref[...], preferred_element_type=F32)
    scaled = ep * full * aux_ref[:, 0:1]
    out_ref[...] = jnp.dot(scaled, bd_ref[0], preferred_element_type=F32)


def _scatter_body(msg_hbm, dst_hbm, parts_hbm, zbuf_v, idx_v, rows_v, accum_sh,
                  sem):
    c = lax.axis_index("c")
    s = lax.axis_index("s")
    wid = c * NS + s
    ebase = wid * E_PER_W
    rbase = s * V_PER_T

    def zrow(r, carry):
        for jj in range(IN_C // 16):
            zbuf_v[r, pl.ds(jj * 16, 16)] = jnp.zeros((16,), F32)
        return carry

    lax.fori_loop(0, ZROWS, zrow, 0)
    for t in range(V_PER_T // ZROWS):
        pltpu.sync_copy(zbuf_v, accum_sh.at[pl.ds(rbase + t * ZROWS, ZROWS)])
    plsc.subcore_barrier()

    def step(j, carry):
        base = ebase + j * CHUNK
        pltpu.sync_copy(dst_hbm.at[pl.ds(base, CHUNK)], idx_v)
        pltpu.sync_copy(msg_hbm.at[pl.ds(base, CHUNK)], rows_v)
        pltpu.sync_copy(rows_v, accum_sh.at[idx_v], add=True)
        return carry

    lax.fori_loop(0, N_CHUNK, step, 0)
    plsc.subcore_barrier()

    for t in range(V_PER_T // ZROWS):
        r = rbase + t * ZROWS
        pltpu.sync_copy(accum_sh.at[pl.ds(r, ZROWS)],
                        parts_hbm.at[c, pl.ds(r, ZROWS)])


def _final_body(parts_ref, lrel_ref, lw_ref, bias_ref, gamma_ref, beta_ref,
                out_ref):
    h = (parts_ref[0, :V] + parts_ref[1, :V]) * (1.0 / 3.0)
    loop = jnp.dot(h * lrel_ref[...], lw_ref[...], preferred_element_type=F32)
    h = h + loop * (1.0 / 3.0) + bias_ref[...]
    mean = jnp.mean(h, axis=0, keepdims=True)
    var = jnp.mean((h - mean) * (h - mean), axis=0, keepdims=True)
    h = (h - mean) * jax.lax.rsqrt(var + 1e-5) * gamma_ref[...] + beta_ref[...]
    out_ref[...] = jnp.maximum(h, 0.0)


def kernel(node_repr, rel_repr, edge_norm, hyper_plane_node_w,
           hyper_plane_node_rel_w, hyper_plane_in_w, hyper_plane_out_w,
           loop_w, loop_rel, att_w, w_rel, bias, bn_gamma, bn_beta,
           edge_index, edge_type):
    assert node_repr.shape == (V, IN_C) and edge_index.shape == (2, E)

    wnr_flat = jnp.transpose(hyper_plane_node_rel_w, (1, 0, 2)).reshape(IN_C, K * D)
    wn_flat = jnp.transpose(hyper_plane_node_w, (1, 0, 2)).reshape(IN_C, K * D)
    a1 = att_w[:D, 0]
    a2 = att_w[D:, 0]
    kk = jnp.arange(K * D) // D
    jj = jnp.arange(K * D) % D
    cols16 = jnp.arange(16)
    a1_blk = jnp.where(kk[:, None] == cols16[None, :], a1[jj][:, None], 0.0)
    a2_blk = jnp.where(kk[:, None] == cols16[None, :], a2[jj][:, None], 0.0)
    rrep = jnp.where(cols16[:, None] == kk[None, :], 1.0, 0.0).astype(F32)
    oo = jnp.arange(OUT_C) // (OUT_C // K)
    oo_mod = jnp.arange(OUT_C) % (OUT_C // K)
    blkmask = (kk[:, None] == oo[None, :]).astype(F32)
    win_full = hyper_plane_in_w[kk, jj][:, oo_mod]
    wout_full = hyper_plane_out_w[kk, jj][:, oo_mod]
    bd = jnp.stack([win_full * blkmask, wout_full * blkmask])

    src = edge_index[0].astype(jnp.int32)
    dst = edge_index[1].astype(jnp.int32)
    aux = jnp.concatenate(
        [edge_norm[:, None], edge_type.astype(F32)[:, None]], axis=1)

    s16, rel_out = pl.pallas_call(
        _prep_body,
        out_shape=[jax.ShapeDtypeStruct((V, 16), F32),
                   jax.ShapeDtypeStruct((NUM_REL2, OUT_C), F32)],
    )(node_repr, wn_flat, a2_blk, rel_repr, w_rel)

    mesh = plsc.VectorSubcoreMesh(core_axis_name="c", subcore_axis_name="s")
    gather = pl.kernel(
        _gather_body,
        out_type=[jax.ShapeDtypeStruct((E, IN_C), F32),
                  jax.ShapeDtypeStruct((E, 16), F32)],
        mesh=mesh,
        scratch_types=[
            pltpu.VMEM((CHUNK,), jnp.int32),
            pltpu.VMEM((CHUNK,), jnp.int32),
            pltpu.VMEM((CHUNK, IN_C), F32),
            pltpu.VMEM((CHUNK, 16), F32),
            pltpu.SemaphoreType.DMA,
        ],
        compiler_params=pltpu.CompilerParams(use_tc_tiling_on_sc=False),
    )
    hsrc, sa = gather(node_repr, s16, src, dst)

    msg = pl.pallas_call(
        _edge_body,
        grid=(N_EB,),
        in_specs=[
            pl.BlockSpec((EDGE_B, IN_C), lambda i: (i, 0)),
            pl.BlockSpec((EDGE_B, 16), lambda i: (i, 0)),
            pl.BlockSpec((EDGE_B, 2), lambda i: (i, 0)),
            pl.BlockSpec((NUM_REL2, IN_C), lambda i: (0, 0)),
            pl.BlockSpec((IN_C, K * D), lambda i: (0, 0)),
            pl.BlockSpec((IN_C, 16), lambda i: (0, 0)),
            pl.BlockSpec((16, IN_C), lambda i: (0, 0)),
            pl.BlockSpec((1, IN_C, OUT_C), lambda i: (i // (N_EB // 2), 0, 0)),
        ],
        out_specs=pl.BlockSpec((EDGE_B, OUT_C), lambda i: (i, 0)),
        out_shape=jax.ShapeDtypeStruct((E, OUT_C), F32),
        compiler_params=pltpu.CompilerParams(
            dimension_semantics=("arbitrary",)),
    )(hsrc, sa, aux, rel_repr, wnr_flat, a1_blk, rrep, bd)

    scatter = pl.kernel(
        _scatter_body,
        out_type=jax.ShapeDtypeStruct((NC, V_PAD, OUT_C), F32),
        mesh=mesh,
        scratch_types=[
            pltpu.VMEM((ZROWS, OUT_C), F32),
            pltpu.VMEM((CHUNK,), jnp.int32),
            pltpu.VMEM((CHUNK, OUT_C), F32),
            pltpu.VMEM_SHARED((V_PAD, OUT_C), F32),
            pltpu.SemaphoreType.DMA,
        ],
    )
    parts = scatter(msg, dst)

    h = pl.pallas_call(
        _final_body,
        out_shape=jax.ShapeDtypeStruct((V, OUT_C), F32),
    )(parts, loop_rel, loop_w, bias[None, :], bn_gamma[None, :],
      bn_beta[None, :])

    return h, rel_out

# --- scband reference (transcript-rebuilt; emitter-appended) ---
"""Pipeline reference for scband-dcomp-gcncov-layer-15204184228278 (READ-ONLY COPY).

The authoritative reference and input builder live on the scoring server;
editing this copy changes nothing except your own understanding.
"""

import jax, jax.numpy as jnp
import numpy as np

V = 10000
E = 320000
IN_C = 128
OUT_C = 128
K = 4
NUM_REL2 = 64


def _xavier(key, shape):
    fan_in, fan_out = shape[-2], shape[-1]
    gain = np.sqrt(2.0)
    std = gain * np.sqrt(2.0 / (fan_in + fan_out))
    return jax.random.normal(key, shape, dtype=jnp.float32) * std


def setup_inputs(seed: int = 0):
    key = jax.random.key(seed)
    ks = jax.random.split(key, 16)
    d = IN_C // K
    return {
        "node_repr": jax.random.normal(ks[0], (V, IN_C), dtype=jnp.float32),
        "rel_repr": jax.random.normal(ks[1], (NUM_REL2, IN_C), dtype=jnp.float32),
        "edge_norm": jax.random.uniform(ks[2], (E,), dtype=jnp.float32),
        "hyper_plane_node_w": _xavier(ks[3], (K, IN_C, d)),
        "hyper_plane_node_rel_w": _xavier(ks[4], (K, IN_C, d)),
        "hyper_plane_in_w": _xavier(ks[5], (K, d, OUT_C // K)),
        "hyper_plane_out_w": _xavier(ks[6], (K, d, OUT_C // K)),
        "loop_w": _xavier(ks[7], (IN_C, OUT_C)),
        "loop_rel": _xavier(ks[8], (1, IN_C)),
        "att_w": _xavier(ks[9], (2 * d, 1)),
        "w_rel": _xavier(ks[10], (IN_C, OUT_C)),
        "bias": jnp.zeros((OUT_C,), dtype=jnp.float32),
        "bn_gamma": jnp.ones((OUT_C,), dtype=jnp.float32),
        "bn_beta": jnp.zeros((OUT_C,), dtype=jnp.float32),
        "edge_index": jax.random.randint(ks[11], (2, E), 0, V),
        "edge_type": jax.random.randint(ks[12], (E,), 0, NUM_REL2),
    }


def reference(node_repr, rel_repr, edge_norm, hyper_plane_node_w, hyper_plane_node_rel_w,
              hyper_plane_in_w, hyper_plane_out_w, loop_w, loop_rel, att_w, w_rel,
              bias, bn_gamma, bn_beta, edge_index, edge_type):
    src = edge_index[0]
    dst = edge_index[1]
    num_edges = src.shape[0]
    half = num_edges // 2
    out_c = loop_w.shape[1]

    # message_func
    h_src = node_repr[src]                                  # [E, in_c]
    h_dst = node_repr[dst]                                  # [E, in_c]
    edge_data = h_src * rel_repr[edge_type]                 # comp (opn='mult')
    edge_data = jnp.einsum('ei,kij->ekj', edge_data, hyper_plane_node_rel_w)  # [E,k,d]
    node_data = jnp.einsum('ei,kij->ekj', h_dst, hyper_plane_node_w)          # [E,k,d]
    cat_data = jnp.concatenate([edge_data, node_data], axis=2)                # [E,k,2d]
    att = jnp.matmul(cat_data, att_w)                       # [E,k,1]
    att = jax.nn.relu(att)
    att = jax.nn.softmax(att, axis=1)                       # softmax over k factors
    edge_data = edge_data * att                             # broadcast == repeat
    msg_in = jnp.einsum('ekd,kdo->eko', edge_data[:half], hyper_plane_in_w)
    msg_out = jnp.einsum('ekd,kdo->eko', edge_data[half:], hyper_plane_out_w)
    msg = jnp.concatenate([msg_in, msg_out], axis=0).reshape(num_edges, out_c)
    msg = msg * edge_norm[:, None]

    # fn.sum aggregation + reduce_func (drop is identity, /3)
    h = jax.ops.segment_sum(msg, dst, num_segments=node_repr.shape[0])
    h = h / 3.0

    # self-loop branch
    h = h + jnp.matmul(h * loop_rel, loop_w) / 3.0
    h = h + bias

    # BatchNorm1d (training-mode batch stats, eps=1e-5)
    mean = jnp.mean(h, axis=0)
    var = jnp.var(h, axis=0)
    h = (h - mean) / jnp.sqrt(var + 1e-5) * bn_gamma + bn_beta
    h = jax.nn.relu(h)
    return h, jnp.matmul(rel_repr, w_rel)

if __name__ == "__main__":
    import jax
    _d = setup_inputs()
    print(jax.jit(kernel)(*tuple(_d.values())))

</pallas_src>

<mosaic_0001>
#map = affine_map<(d0, d1) -> (0, 0)>
#map1 = affine_map<(d0, d1) -> (0)>
module attributes {stable_mosaic.version = 14 : i64} {
  func.func @_gather_body(%arg0: i32, %arg1: i32, %arg2: memref<10000x128xf32, #tpu.memory_space<hbm>>, %arg3: memref<10000x16xf32, #tpu.memory_space<hbm>>, %arg4: memref<320000xi32, #tpu.memory_space<hbm>>, %arg5: memref<320000xi32, #tpu.memory_space<hbm>>, %arg6: memref<320000x128xf32, #tpu.memory_space<hbm>>, %arg7: memref<320000x16xf32, #tpu.memory_space<hbm>>, %arg8: memref<80xi32, #tpu.memory_space<vmem>>, %arg9: memref<80xi32, #tpu.memory_space<vmem>>, %arg10: memref<80x128xf32, #tpu.memory_space<vmem>>, %arg11: memref<80x16xf32, #tpu.memory_space<vmem>>, %arg12: memref<!tpu.dma_semaphore, #tpu.memory_space<semaphore_mem>>) attributes {dimension_semantics = [#tpu.dimension_semantics<core_parallel>, #tpu.dimension_semantics<subcore_parallel>], iteration_bounds = array<i64: 2, 16>, scalar_prefetch = 0 : i64, scratch_operands = 5 : i64, tpu.core_type = #tpu.core_type<sc_vector_subcore>, window_params = [{transform_indices = #map}, {transform_indices = #map}, {transform_indices = #map1}, {transform_indices = #map1}, {transform_indices = #map}, {transform_indices = #map}]} {
    %mul3A = arith.constant 16 : i32
    %mul3A_0 = arith.muli %arg0, %mul3A : i32
    %add3A = arith.addi %mul3A_0, %arg1 : i32
    %mul3A_1 = arith.constant 10000 : i32
    %mul3A_2 = arith.muli %add3A, %mul3A_1 : i32
    %scan3A = arith.constant 0 : i32
    %scan3A_3 = arith.constant 0 : i32
    %scan3A_4 = arith.constant 125 : i32
    %scan3A_5 = arith.addi %scan3A_3, %scan3A_4 : i32
    %scan3A_6 = arith.constant 1 : i32
    scf.for %scan3A_8 = %scan3A_3 to %scan3A_5 step %scan3A_6  : i32 {
      %mul3A_9 = arith.constant 80 : i32
      %mul3A_10 = arith.muli %scan3A_8, %mul3A_9 : i32
      %add3A_11 = arith.addi %mul3A_2, %mul3A_10 : i32
      "tpu.region"() ({
        %run_scoped3A = tpu.sem_alloc : memref<!tpu.dma_semaphore, #tpu.memory_space<semaphore_mem>>
        %dma_start3A_22 = tpu.memref_slice %arg4[%add3A_11] : memref<320000xi32, #tpu.memory_space<hbm>> -> memref<80xi32, #tpu.memory_space<hbm>>
        %dma_start3A_23 = tpu.memref_slice %arg4[%add3A_11] : memref<320000xi32, #tpu.memory_space<hbm>> -> memref<80xi32, #tpu.memory_space<hbm>>
        tpu.enqueue_dma source(%dma_start3A_23 : memref<80xi32, #tpu.memory_space<hbm>>) target(%arg8 : memref<80xi32, #tpu.memory_space<vmem>>) target_semaphore(%run_scoped3A : memref<!tpu.dma_semaphore, #tpu.memory_space<semaphore_mem>>)
        %dma_wait3A_24 = tpu.memref_slice %arg4[%add3A_11] : memref<320000xi32, #tpu.memory_space<hbm>> -> memref<80xi32, #tpu.memory_space<hbm>>
        %dma_wait3A_25 = tpu.memref_slice %arg4[%add3A_11] : memref<320000xi32, #tpu.memory_space<hbm>> -> memref<80xi32, #tpu.memory_space<hbm>>
        tpu.wait_dma2 semaphore(%run_scoped3A : memref<!tpu.dma_semaphore, #tpu.memory_space<semaphore_mem>>) src(%dma_wait3A_25 : memref<80xi32, #tpu.memory_space<hbm>>) dst(%arg8 : memref<80xi32, #tpu.memory_space<vmem>>)
        tpu.yield
      }) : () -> ()
      %dma_start3A = arith.constant 0 : i32
      %dma_start3A_12 = arith.constant 0 : i32
      %dma_start3A_13 = tpu.memref_slice %arg2[%dma_start3A, %dma_start3A_12] : memref<10000x128xf32, #tpu.memory_space<hbm>> -> memref<10000x128xf32, #tpu.memory_space<hbm>>
      tpu.enqueue_indirect_dma source(%dma_start3A_13 : memref<10000x128xf32, #tpu.memory_space<hbm>>) target(%arg10 : memref<80x128xf32, #tpu.memory_space<vmem>>) offsets(%arg8 : memref<80xi32, #tpu.memory_space<vmem>>) semaphore(%arg12 : memref<!tpu.dma_semaphore, #tpu.memory_space<semaphore_mem>>)
      %dma_wait3A = arith.constant 0 : i32
      %dma_wait3A_14 = arith.constant 0 : i32
      %dma_wait3A_15 = tpu.memref_slice %arg2[%dma_wait3A, %dma_wait3A_14] : memref<10000x128xf32, #tpu.memory_space<hbm>> -> memref<10000x128xf32, #tpu.memory_space<hbm>>
      tpu.wait_indirect_dma semaphore(%arg12 : memref<!tpu.dma_semaphore, #tpu.memory_space<semaphore_mem>>) src(%dma_wait3A_15 : memref<10000x128xf32, #tpu.memory_space<hbm>>) dst(%arg10 : memref<80x128xf32, #tpu.memory_space<vmem>>)
      "tpu.region"() ({
        %run_scoped3A = tpu.sem_alloc : memref<!tpu.dma_semaphore, #tpu.memory_space<semaphore_mem>>
        %dma_start3A_22 = arith.constant 0 : i32
        %dma_start3A_23 = tpu.memref_slice %arg6[%add3A_11, %dma_start3A_22] : memref<320000x128xf32, #tpu.memory_space<hbm>> -> memref<80x128xf32, #tpu.memory_space<hbm>>
        %dma_start3A_24 = arith.constant 0 : i32
        %dma_start3A_25 = tpu.memref_slice %arg6[%add3A_11, %dma_start3A_24] : memref<320000x128xf32, #tpu.memory_space<hbm>> -> memref<80x128xf32, #tpu.memory_space<hbm>>
        tpu.enqueue_dma source(%arg10 : memref<80x128xf32, #tpu.memory_space<vmem>>) target(%dma_start3A_25 : memref<80x128xf32, #tpu.memory_space<hbm>>) target_semaphore(%run_scoped3A : memref<!tpu.dma_semaphore, #tpu.memory_space<semaphore_mem>>)
        %dma_wait3A_26 = arith.constant 0 : i32
        %dma_wait3A_27 = tpu.memref_slice %arg6[%add3A_11, %dma_wait3A_26] : memref<320000x128xf32, #tpu.memory_space<hbm>> -> memref<80x128xf32, #tpu.memory_space<hbm>>
        %dma_wait3A_28 = arith.constant 0 : i32
        %dma_wait3A_29 = tpu.memref_slice %arg6[%add3A_11, %dma_wait3A_28] : memref<320000x128xf32, #tpu.memory_space<hbm>> -> memref<80x128xf32, #tpu.memory_space<hbm>>
        tpu.wait_dma2 semaphore(%run_scoped3A : memref<!tpu.dma_semaphore, #tpu.memory_space<semaphore_mem>>) src(%arg10 : memref<80x128xf32, #tpu.memory_space<vmem>>) dst(%dma_wait3A_29 : memref<80x128xf32, #tpu.memory_space<hbm>>)
        tpu.yield
      }) : () -> ()
      "tpu.region"() ({
        %run_scoped3A = tpu.sem_alloc : memref<!tpu.dma_semaphore, #tpu.memory_space<semaphore_mem>>
        %dma_start3A_22 = tpu.memref_slice %arg5[%add3A_11] : memref<320000xi32, #tpu.memory_space<hbm>> -> memref<80xi32, #tpu.memory_space<hbm>>
        %dma_start3A_23 = tpu.memref_slice %arg5[%add3A_11] : memref<320000xi32, #tpu.memory_space<hbm>> -> memref<80xi32, #tpu.memory_space<hbm>>
        tpu.enqueue_dma source(%dma_start3A_23 : memref<80xi32, #tpu.memory_space<hbm>>) target(%arg9 : memref<80xi32, #tpu.memory_space<vmem>>) target_semaphore(%run_scoped3A : memref<!tpu.dma_semaphore, #tpu.memory_space<semaphore_mem>>)
        %dma_wait3A_24 = tpu.memref_slice %arg5[%add3A_11] : memref<320000xi32, #tpu.memory_space<hbm>> -> memref<80xi32, #tpu.memory_space<hbm>>
        %dma_wait3A_25 = tpu.memref_slice %arg5[%add3A_11] : memref<320000xi32, #tpu.memory_space<hbm>> -> memref<80xi32, #tpu.memory_space<hbm>>
        tpu.wait_dma2 semaphore(%run_scoped3A : memref<!tpu.dma_semaphore, #tpu.memory_space<semaphore_mem>>) src(%dma_wait3A_25 : memref<80xi32, #tpu.memory_space<hbm>>) dst(%arg9 : memref<80xi32, #tpu.memory_space<vmem>>)
        tpu.yield
      }) : () -> ()
      %dma_start3A_16 = arith.constant 0 : i32
      %dma_start3A_17 = arith.constant 0 : i32
      %dma_start3A_18 = tpu.memref_slice %arg3[%dma_start3A_16, %dma_start3A_17] : memref<10000x16xf32, #tpu.memory_space<hbm>> -> memref<10000x16xf32, #tpu.memory_space<hbm>>
      tpu.enqueue_indirect_dma source(%dma_start3A_18 : memref<10000x16xf32, #tpu.memory_space<hbm>>) target(%arg11 : memref<80x16xf32, #tpu.memory_space<vmem>>) offsets(%arg9 : memref<80xi32, #tpu.memory_space<vmem>>) semaphore(%arg12 : memref<!tpu.dma_semaphore, #tpu.memory_space<semaphore_mem>>)
      %dma_wait3A_19 = arith.constant 0 : i32
      %dma_wait3A_20 = arith.constant 0 : i32
      %dma_wait3A_21 = tpu.memref_slice %arg3[%dma_wait3A_19, %dma_wait3A_20] : memref<10000x16xf32, #tpu.memory_space<hbm>> -> memref<10000x16xf32, #tpu.memory_space<hbm>>
      tpu.wait_indirect_dma semaphore(%arg12 : memref<!tpu.dma_semaphore, #tpu.memory_space<semaphore_mem>>) src(%dma_wait3A_21 : memref<10000x16xf32, #tpu.memory_space<hbm>>) dst(%arg11 : memref<80x16xf32, #tpu.memory_space<vmem>>)
      "tpu.region"() ({
        %run_scoped3A = tpu.sem_alloc : memref<!tpu.dma_semaphore, #tpu.memory_space<semaphore_mem>>
        %dma_start3A_22 = arith.constant 0 : i32
        %dma_start3A_23 = tpu.memref_slice %arg7[%add3A_11, %dma_start3A_22] : memref<320000x16xf32, #tpu.memory_space<hbm>> -> memref<80x16xf32, #tpu.memory_space<hbm>>
        %dma_start3A_24 = arith.constant 0 : i32
        %dma_start3A_25 = tpu.memref_slice %arg7[%add3A_11, %dma_start3A_24] : memref<320000x16xf32, #tpu.memory_space<hbm>> -> memref<80x16xf32, #tpu.memory_space<hbm>>
        tpu.enqueue_dma source(%arg11 : memref<80x16xf32, #tpu.memory_space<vmem>>) target(%dma_start3A_25 : memref<80x16xf32, #tpu.memory_space<hbm>>) target_semaphore(%run_scoped3A : memref<!tpu.dma_semaphore, #tpu.memory_space<semaphore_mem>>)
        %dma_wait3A_26 = arith.constant 0 : i32
        %dma_wait3A_27 = tpu.memref_slice %arg7[%add3A_11, %dma_wait3A_26] : memref<320000x16xf32, #tpu.memory_space<hbm>> -> memref<80x16xf32, #tpu.memory_space<hbm>>
        %dma_wait3A_28 = arith.constant 0 : i32
        %dma_wait3A_29 = tpu.memref_slice %arg7[%add3A_11, %dma_wait3A_28] : memref<320000x16xf32, #tpu.memory_space<hbm>> -> memref<80x16xf32, #tpu.memory_space<hbm>>
        tpu.wait_dma2 semaphore(%run_scoped3A : memref<!tpu.dma_semaphore, #tpu.memory_space<semaphore_mem>>) src(%arg11 : memref<80x16xf32, #tpu.memory_space<vmem>>) dst(%dma_wait3A_29 : memref<80x16xf32, #tpu.memory_space<hbm>>)
        tpu.yield
      }) : () -> ()
    }
    %scan3A_7 = arith.constant 125 : i32
    return
  }
}

#map = affine_map<(d0, d1) -> (0, 0)>
#map1 = affine_map<(d0, d1) -> (0)>
#map2 = affine_map<(d0, d1) -> (0, 0, 0)>
module attributes {stable_mosaic.version = 14 : i64} {
  func.func @_scatter_body(%arg0: i32, %arg1: i32, %arg2: memref<320000x128xf32, #tpu.memory_space<hbm>>, %arg3: memref<320000xi32, #tpu.memory_space<hbm>>, %arg4: memref<2x10240x128xf32, #tpu.memory_space<hbm>>, %arg5: memref<128x128xf32, #tpu.memory_space<vmem>>, %arg6: memref<80xi32, #tpu.memory_space<vmem>>, %arg7: memref<80x128xf32, #tpu.memory_space<vmem>>, %arg8: memref<10240x128xf32, #tpu.memory_space<vmem_shared>>, %arg9: memref<!tpu.dma_semaphore, #tpu.memory_space<semaphore_mem>>) attributes {dimension_semantics = [#tpu.dimension_semantics<core_parallel>, #tpu.dimension_semantics<subcore_parallel>], iteration_bounds = array<i64: 2, 16>, scalar_prefetch = 0 : i64, scratch_operands = 5 : i64, tpu.core_type = #tpu.core_type<sc_vector_subcore>, window_params = [{transform_indices = #map}, {transform_indices = #map1}, {transform_indices = #map2}]} {
    %mul3A = arith.constant 16 : i32
    %mul3A_0 = arith.muli %arg0, %mul3A : i32
    %add3A = arith.addi %mul3A_0, %arg1 : i32
    %mul3A_1 = arith.constant 10000 : i32
    %mul3A_2 = arith.muli %add3A, %mul3A_1 : i32
    %mul3A_3 = arith.constant 640 : i32
    %mul3A_4 = arith.muli %arg1, %mul3A_3 : i32
    %scan3A = arith.constant 0 : i32
    %scan3A_5 = arith.constant 0 : i32
    %scan3A_6 = arith.constant 128 : i32
    %scan3A_7 = arith.addi %scan3A_5, %scan3A_6 : i32
    %scan3A_8 = arith.constant 1 : i32
    scf.for %scan3A_37 = %scan3A_5 to %scan3A_7 step %scan3A_8  : i32 {
      %broadcast_in_dim3A = arith.constant 0.000000e+00 : f32
      %broadcast_in_dim3A_38 = vector.broadcast %broadcast_in_dim3A : f32 to vector<16xf32>
      %swap3A = arith.index_cast %scan3A_37 : i32 to index
      %swap3A_39 = arith.constant 0 : index
      %swap3A_40 = tpu.vector_load %arg5[%swap3A, %swap3A_39] {strides = array<i32>} : memref<128x128xf32, #tpu.memory_space<vmem>>, vector<1x16xf32>,
      %swap3A_41 = vector.shape_cast %swap3A_40 : vector<1x16xf32> to vector<16xf32>
      %swap3A_42 = vector.shape_cast %broadcast_in_dim3A_38 : vector<16xf32> to vector<1x16xf32>
      tpu.vector_store %arg5[%swap3A, %swap3A_39], %swap3A_42 {strides = array<i32>} : memref<128x128xf32, #tpu.memory_space<vmem>>, vector<1x16xf32>,
      %broadcast_in_dim3A_43 = arith.constant 0.000000e+00 : f32
      %broadcast_in_dim3A_44 = vector.broadcast %broadcast_in_dim3A_43 : f32 to vector<16xf32>
      %swap3A_45 = arith.index_cast %scan3A_37 : i32 to index
      %swap3A_46 = arith.constant 16 : index
      %swap3A_47 = tpu.vector_load %arg5[%swap3A_45, %swap3A_46] {strides = array<i32>} : memref<128x128xf32, #tpu.memory_space<vmem>>, vector<1x16xf32>,
      %swap3A_48 = vector.shape_cast %swap3A_47 : vector<1x16xf32> to vector<16xf32>
      %swap3A_49 = vector.shape_cast %broadcast_in_dim3A_44 : vector<16xf32> to vector<1x16xf32>
      tpu.vector_store %arg5[%swap3A_45, %swap3A_46], %swap3A_49 {strides = array<i32>} : memref<128x128xf32, #tpu.memory_space<vmem>>, vector<1x16xf32>,
      %broadcast_in_dim3A_50 = arith.constant 0.000000e+00 : f32
      %broadcast_in_dim3A_51 = vector.broadcast %broadcast_in_dim3A_50 : f32 to vector<16xf32>
      %swap3A_52 = arith.index_cast %scan3A_37 : i32 to index
      %swap3A_53 = arith.constant 32 : index
      %swap3A_54 = tpu.vector_load %arg5[%swap3A_52, %swap3A_53] {strides = array<i32>} : memref<128x128xf32, #tpu.memory_space<vmem>>, vector<1x16xf32>,
      %swap3A_55 = vector.shape_cast %swap3A_54 : vector<1x16xf32> to vector<16xf32>
      %swap3A_56 = vector.shape_cast %broadcast_in_dim3A_51 : vector<16xf32> to vector<1x16xf32>
      tpu.vector_store %arg5[%swap3A_52, %swap3A_53], %swap3A_56 {strides = array<i32>} : memref<128x128xf32, #tpu.memory_space<vmem>>, vector<1x16xf32>,
      %broadcast_in_dim3A_57 = arith.constant 0.000000e+00 : f32
      %broadcast_in_dim3A_58 = vector.broadcast %broadcast_in_dim3A_57 : f32 to vector<16xf32>
      %swap3A_59 = arith.index_cast %scan3A_37 : i32 to index
      %swap3A_60 = arith.constant 48 : index
      %swap3A_61 = tpu.vector_load %arg5[%swap3A_59, %swap3A_60] {strides = array<i32>} : memref<128x128xf32, #tpu.memory_space<vmem>>, vector<1x16xf32>,
      %swap3A_62 = vector.shape_cast %swap3A_61 : vector<1x16xf32> to vector<16xf32>
      %swap3A_63 = vector.shape_cast %broadcast_in_dim3A_58 : vector<16xf32> to vector<1x16xf32>
      tpu.vector_store %arg5[%swap3A_59, %swap3A_60], %swap3A_63 {strides = array<i32>} : memref<128x128xf32, #tpu.memory_space<vmem>>, vector<1x16xf32>,
      %broadcast_in_dim3A_64 = arith.constant 0.000000e+00 : f32
      %broadcast_in_dim3A_65 = vector.broadcast %broadcast_in_dim3A_64 : f32 to vector<16xf32>
      %swap3A_66 = arith.index_cast %scan3A_37 : i32 to index
      %swap3A_67 = arith.constant 64 : index
      %swap3A_68 = tpu.vector_load %arg5[%swap3A_66, %swap3A_67] {strides = array<i32>} : memref<128x128xf32, #tpu.memory_space<vmem>>, vector<1x16xf32>,
      %swap3A_69 = vector.shape_cast %swap3A_68 : vector<1x16xf32> to vector<16xf32>
      %swap3A_70 = vector.shape_cast %broadcast_in_dim3A_65 : vector<16xf32> to vector<1x16xf32>
      tpu.vector_store %arg5[%swap3A_66, %swap3A_67], %swap3A_70 {strides = array<i32>} : memref<128x128xf32, #tpu.memory_space<vmem>>, vector<1x16xf32>,
      %broadcast_in_dim3A_71 = arith.constant 0.000000e+00 : f32
      %broadcast_in_dim3A_72 = vector.broadcast %broadcast_in_dim3A_71 : f32 to vector<16xf32>
      %swap3A_73 = arith.index_cast %scan3A_37 : i32 to index
      %swap3A_74 = arith.constant 80 : index
      %swap3A_75 = tpu.vector_load %arg5[%swap3A_73, %swap3A_74] {strides = array<i32>} : memref<128x128xf32, #tpu.memory_space<vmem>>, vector<1x16xf32>,
      %swap3A_76 = vector.shape_cast %swap3A_75 : vector<1x16xf32> to vector<16xf32>
      %swap3A_77 = vector.shape_cast %broadcast_in_dim3A_72 : vector<16xf32> to vector<1x16xf32>
      tpu.vector_store %arg5[%swap3A_73, %swap3A_74], %swap3A_77 {strides = array<i32>} : memref<128x128xf32, #tpu.memory_space<vmem>>, vector<1x16xf32>,
      %broadcast_in_dim3A_78 = arith.constant 0.000000e+00 : f32
      %broadcast_in_dim3A_79 = vector.broadcast %broadcast_in_dim3A_78 : f32 to vector<16xf32>
      %swap3A_80 = arith.index_cast %scan3A_37 : i32 to index
      %swap3A_81 = arith.constant 96 : index
      %swap3A_82 = tpu.vector_load %arg5[%swap3A_80, %swap3A_81] {strides = array<i32>} : memref<128x128xf32, #tpu.memory_space<vmem>>, vector<1x16xf32>,
      %swap3A_83 = vector.shape_cast %swap3A_82 : vector<1x16xf32> to vector<16xf32>
      %swap3A_84 = vector.shape_cast %broadcast_in_dim3A_79 : vector<16xf32> to vector<1x16xf32>
      tpu.vector_store %arg5[%swap3A_80, %swap3A_81], %swap3A_84 {strides = array<i32>} : memref<128x128xf32, #tpu.memory_space<vmem>>, vector<1x16xf32>,
      %broadcast_in_dim3A_85 = arith.constant 0.000000e+00 : f32
      %broadcast_in_dim3A_86 = vector.broadcast %broadcast_in_dim3A_85 : f32 to vector<16xf32>
      %swap3A_87 = arith.index_cast %scan3A_37 : i32 to index
      %swap3A_88 = arith.constant 112 : index
      %swap3A_89 = tpu.vector_load %arg5[%swap3A_87, %swap3A_88] {strides = array<i32>} : memref<128x128xf32, #tpu.memory_space<vmem>>, vector<1x16xf32>,
      %swap3A_90 = vector.shape_cast %swap3A_89 : vector<1x16xf32> to vector<16xf32>
      %swap3A_91 = vector.shape_cast %broadcast_in_dim3A_86 : vector<16xf32> to vector<1x16xf32>
      tpu.vector_store %arg5[%swap3A_87, %swap3A_88], %swap3A_91 {strides = array<i32>} : memref<128x128xf32, #tpu.memory_space<vmem>>, vector<1x16xf32>,
    }
    %scan3A_9 = arith.constant 128 : i32
    %add3A_10 = arith.constant 0 : i32
    %add3A_11 = arith.addi %mul3A_4, %add3A_10 : i32
    "tpu.region"() ({
      %run_scoped3A = tpu.sem_alloc : memref<!tpu.dma_semaphore, #tpu.memory_space<semaphore_mem>>
      %dma_start3A = arith.constant 0 : i32
      %dma_start3A_37 = tpu.memref_slice %arg8[%add3A_11, %dma_start3A] : memref<10240x128xf32, #tpu.memory_space<vmem_shared>> -> memref<128x128xf32, #tpu.memory_space<vmem_shared>>
      %dma_start3A_38 = arith.constant 0 : i32
      %dma_start3A_39 = tpu.memref_slice %arg8[%add3A_11, %dma_start3A_38] : memref<10240x128xf32, #tpu.memory_space<vmem_shared>> -> memref<128x128xf32, #tpu.memory_space<vmem_shared>>
      tpu.enqueue_dma source(%arg5 : memref<128x128xf32, #tpu.memory_space<vmem>>) target(%dma_start3A_39 : memref<128x128xf32, #tpu.memory_space<vmem_shared>>) target_semaphore(%run_scoped3A : memref<!tpu.dma_semaphore, #tpu.memory_space<semaphore_mem>>)
      %dma_wait3A = arith.constant 0 : i32
      %dma_wait3A_40 = tpu.memref_slice %arg8[%add3A_11, %dma_wait3A] : memref<10240x128xf32, #tpu.memory_space<vmem_shared>> -> memref<128x128xf32, #tpu.memory_space<vmem_shared>>
      %dma_wait3A_41 = arith.constant 0 : i32
      %dma_wait3A_42 = tpu.memref_slice %arg8[%add3A_11, %dma_wait3A_41] : memref<10240x128xf32, #tpu.memory_space<vmem_shared>> -> memref<128x128xf32, #tpu.memory_space<vmem_shared>>
      tpu.wait_dma2 semaphore(%run_scoped3A : memref<!tpu.dma_semaphore, #tpu.memory_space<semaphore_mem>>) src(%arg5 : memref<128x128xf32, #tpu.memory_space<vmem>>) dst(%dma_wait3A_42 : memref<128x128xf32, #tpu.memory_space<vmem_shared>>)
      tpu.yield
    }) : () -> ()
    %add3A_12 = arith.constant 128 : i32
    %add3A_13 = arith.addi %mul3A_4, %add3A_12 : i32
    "tpu.region"() ({
      %run_scoped3A = tpu.sem_alloc : memref<!tpu.dma_semaphore, #tpu.memory_space<semaphore_mem>>
      %dma_start3A = arith.constant 0 : i32
      %dma_start3A_37 = tpu.memref_slice %arg8[%add3A_13, %dma_start3A] : memref<10240x128xf32, #tpu.memory_space<vmem_shared>> -> memref<128x128xf32, #tpu.memory_space<vmem_shared>>
      %dma_start3A_38 = arith.constant 0 : i32
      %dma_start3A_39 = tpu.memref_slice %arg8[%add3A_13, %dma_start3A_38] : memref<10240x128xf32, #tpu.memory_space<vmem_shared>> -> memref<128x128xf32, #tpu.memory_space<vmem_shared>>
      tpu.enqueue_dma source(%arg5 : memref<128x128xf32, #tpu.memory_space<vmem>>) target(%dma_start3A_39 : memref<128x128xf32, #tpu.memory_space<vmem_shared>>) target_semaphore(%run_scoped3A : memref<!tpu.dma_semaphore, #tpu.memory_space<semaphore_mem>>)
      %dma_wait3A = arith.constant 0 : i32
      %dma_wait3A_40 = tpu.memref_slice %arg8[%add3A_13, %dma_wait3A] : memref<10240x128xf32, #tpu.memory_space<vmem_shared>> -> memref<128x128xf32, #tpu.memory_space<vmem_shared>>
      %dma_wait3A_41 = arith.constant 0 : i32
      %dma_wait3A_42 = tpu.memref_slice %arg8[%add3A_13, %dma_wait3A_41] : memref<10240x128xf32, #tpu.memory_space<vmem_shared>> -> memref<128x128xf32, #tpu.memory_space<vmem_shared>>
      tpu.wait_dma2 semaphore(%run_scoped3A : memref<!tpu.dma_semaphore, #tpu.memory_space<semaphore_mem>>) src(%arg5 : memref<128x128xf32, #tpu.memory_space<vmem>>) dst(%dma_wait3A_42 : memref<128x128xf32, #tpu.memory_space<vmem_shared>>)
      tpu.yield
    }) : () -> ()
    %add3A_14 = arith.constant 256 : i32
    %add3A_15 = arith.addi %mul3A_4, %add3A_14 : i32
    "tpu.region"() ({
      %run_scoped3A = tpu.sem_alloc : memref<!tpu.dma_semaphore, #tpu.memory_space<semaphore_mem>>
      %dma_start3A = arith.constant 0 : i32
      %dma_start3A_37 = tpu.memref_slice %arg8[%add3A_15, %dma_start3A] : memref<10240x128xf32, #tpu.memory_space<vmem_shared>> -> memref<128x128xf32, #tpu.memory_space<vmem_shared>>
      %dma_start3A_38 = arith.constant 0 : i32
      %dma_start3A_39 = tpu.memref_slice %arg8[%add3A_15, %dma_start3A_38] : memref<10240x128xf32, #tpu.memory_space<vmem_shared>> -> memref<128x128xf32, #tpu.memory_space<vmem_shared>>
      tpu.enqueue_dma source(%arg5 : memref<128x128xf32, #tpu.memory_space<vmem>>) target(%dma_start3A_39 : memref<128x128xf32, #tpu.memory_space<vmem_shared>>) target_semaphore(%run_scoped3A : memref<!tpu.dma_semaphore, #tpu.memory_space<semaphore_mem>>)
      %dma_wait3A = arith.constant 0 : i32
      %dma_wait3A_40 = tpu.memref_slice %arg8[%add3A_15, %dma_wait3A] : memref<10240x128xf32, #tpu.memory_space<vmem_shared>> -> memref<128x128xf32, #tpu.memory_space<vmem_shared>>
      %dma_wait3A_41 = arith.constant 0 : i32
      %dma_wait3A_42 = tpu.memref_slice %arg8[%add3A_15, %dma_wait3A_41] : memref<10240x128xf32, #tpu.memory_space<vmem_shared>> -> memref<128x128xf32, #tpu.memory_space<vmem_shared>>
      tpu.wait_dma2 semaphore(%run_scoped3A : memref<!tpu.dma_semaphore, #tpu.memory_space<semaphore_mem>>) src(%arg5 : memref<128x128xf32, #tpu.memory_space<vmem>>) dst(%dma_wait3A_42 : memref<128x128xf32, #tpu.memory_space<vmem_shared>>)
      tpu.yield
    }) : () -> ()
    %add3A_16 = arith.constant 384 : i32
    %add3A_17 = arith.addi %mul3A_4, %add3A_16 : i32
    "tpu.region"() ({
      %run_scoped3A = tpu.sem_alloc : memref<!tpu.dma_semaphore, #tpu.memory_space<semaphore_mem>>
      %dma_start3A = arith.constant 0 : i32
      %dma_start3A_37 = tpu.memref_slice %arg8[%add3A_17, %dma_start3A] : memref<10240x128xf32, #tpu.memory_space<vmem_shared>> -> memref<128x128xf32, #tpu.memory_space<vmem_shared>>
      %dma_start3A_38 = arith.constant 0 : i32
      %dma_start3A_39 = tpu.memref_slice %arg8[%add3A_17, %dma_start3A_38] : memref<10240x128xf32, #tpu.memory_space<vmem_shared>> -> memref<128x128xf32, #tpu.memory_space<vmem_shared>>
      tpu.enqueue_dma source(%arg5 : memref<128x128xf32, #tpu.memory_space<vmem>>) target(%dma_start3A_39 : memref<128x128xf32, #tpu.memory_space<vmem_shared>>) target_semaphore(%run_scoped3A : memref<!tpu.dma_semaphore, #tpu.memory_space<semaphore_mem>>)
      %dma_wait3A = arith.constant 0 : i32
      %dma_wait3A_40 = tpu.memref_slice %arg8[%add3A_17, %dma_wait3A] : memref<10240x128xf32, #tpu.memory_space<vmem_shared>> -> memref<128x128xf32, #tpu.memory_space<vmem_shared>>
      %dma_wait3A_41 = arith.constant 0 : i32
      %dma_wait3A_42 = tpu.memref_slice %arg8[%add3A_17, %dma_wait3A_41] : memref<10240x128xf32, #tpu.memory_space<vmem_shared>> -> memref<128x128xf32, #tpu.memory_space<vmem_shared>>
      tpu.wait_dma2 semaphore(%run_scoped3A : memref<!tpu.dma_semaphore, #tpu.memory_space<semaphore_mem>>) src(%arg5 : memref<128x128xf32, #tpu.memory_space<vmem>>) dst(%dma_wait3A_42 : memref<128x128xf32, #tpu.memory_space<vmem_shared>>)
      tpu.yield
    }) : () -> ()
    %add3A_18 = arith.constant 512 : i32
    %add3A_19 = arith.addi %mul3A_4, %add3A_18 : i32
    "tpu.region"() ({
      %run_scoped3A = tpu.sem_alloc : memref<!tpu.dma_semaphore, #tpu.memory_space<semaphore_mem>>
      %dma_start3A = arith.constant 0 : i32
      %dma_start3A_37 = tpu.memref_slice %arg8[%add3A_19, %dma_start3A] : memref<10240x128xf32, #tpu.memory_space<vmem_shared>> -> memref<128x128xf32, #tpu.memory_space<vmem_shared>>
      %dma_start3A_38 = arith.constant 0 : i32
      %dma_start3A_39 = tpu.memref_slice %arg8[%add3A_19, %dma_start3A_38] : memref<10240x128xf32, #tpu.memory_space<vmem_shared>> -> memref<128x128xf32, #tpu.memory_space<vmem_shared>>
      tpu.enqueue_dma source(%arg5 : memref<128x128xf32, #tpu.memory_space<vmem>>) target(%dma_start3A_39 : memref<128x128xf32, #tpu.memory_space<vmem_shared>>) target_semaphore(%run_scoped3A : memref<!tpu.dma_semaphore, #tpu.memory_space<semaphore_mem>>)
      %dma_wait3A = arith.constant 0 : i32
      %dma_wait3A_40 = tpu.memref_slice %arg8[%add3A_19, %dma_wait3A] : memref<10240x128xf32, #tpu.memory_space<vmem_shared>> -> memref<128x128xf32, #tpu.memory_space<vmem_shared>>
      %dma_wait3A_41 = arith.constant 0 : i32
      %dma_wait3A_42 = tpu.memref_slice %arg8[%add3A_19, %dma_wait3A_41] : memref<10240x128xf32, #tpu.memory_space<vmem_shared>> -> memref<128x128xf32, #tpu.memory_space<vmem_shared>>
      tpu.wait_dma2 semaphore(%run_scoped3A : memref<!tpu.dma_semaphore, #tpu.memory_space<semaphore_mem>>) src(%arg5 : memref<128x128xf32, #tpu.memory_space<vmem>>) dst(%dma_wait3A_42 : memref<128x128xf32, #tpu.memory_space<vmem_shared>>)
      tpu.yield
    }) : () -> ()
    %barrier3A = arith.constant 0 : index
    tpu.barrier barrier_id(%barrier3A)
    %scan3A_20 = arith.constant 0 : i32
    %scan3A_21 = arith.constant 0 : i32
    %scan3A_22 = arith.constant 125 : i32
    %scan3A_23 = arith.addi %scan3A_21, %scan3A_22 : i32
    %scan3A_24 = arith.constant 1 : i32
    scf.for %scan3A_37 = %scan3A_21 to %scan3A_23 step %scan3A_24  : i32 {
      %mul3A_38 = arith.constant 80 : i32
      %mul3A_39 = arith.muli %scan3A_37, %mul3A_38 : i32
      %add3A_40 = arith.addi %mul3A_2, %mul3A_39 : i32
      "tpu.region"() ({
        %run_scoped3A = tpu.sem_alloc : memref<!tpu.dma_semaphore, #tpu.memory_space<semaphore_mem>>
        %dma_start3A = tpu.memref_slice %arg3[%add3A_40] : memref<320000xi32, #tpu.memory_space<hbm>> -> memref<80xi32, #tpu.memory_space<hbm>>
        %dma_start3A_41 = tpu.memref_slice %arg3[%add3A_40] : memref<320000xi32, #tpu.memory_space<hbm>> -> memref<80xi32, #tpu.memory_space<hbm>>
        tpu.enqueue_dma source(%dma_start3A_41 : memref<80xi32, #tpu.memory_space<hbm>>) target(%arg6 : memref<80xi32, #tpu.memory_space<vmem>>) target_semaphore(%run_scoped3A : memref<!tpu.dma_semaphore, #tpu.memory_space<semaphore_mem>>)
        %dma_wait3A = tpu.memref_slice %arg3[%add3A_40] : memref<320000xi32, #tpu.memory_space<hbm>> -> memref<80xi32, #tpu.memory_space<hbm>>
        %dma_wait3A_42 = tpu.memref_slice %arg3[%add3A_40] : memref<320000xi32, #tpu.memory_space<hbm>> -> memref<80xi32, #tpu.memory_space<hbm>>
        tpu.wait_dma2 semaphore(%run_scoped3A : memref<!tpu.dma_semaphore, #tpu.memory_space<semaphore_mem>>) src(%dma_wait3A_42 : memref<80xi32, #tpu.memory_space<hbm>>) dst(%arg6 : memref<80xi32, #tpu.memory_space<vmem>>)
        tpu.yield
      }) : () -> ()
      "tpu.region"() ({
        %run_scoped3A = tpu.sem_alloc : memref<!tpu.dma_semaphore, #tpu.memory_space<semaphore_mem>>
        %dma_start3A = arith.constant 0 : i32
        %dma_start3A_41 = tpu.memref_slice %arg2[%add3A_40, %dma_start3A] : memref<320000x128xf32, #tpu.memory_space<hbm>> -> memref<80x128xf32, #tpu.memory_space<hbm>>
        %dma_start3A_42 = arith.constant 0 : i32
        %dma_start3A_43 = tpu.memref_slice %arg2[%add3A_40, %dma_start3A_42] : memref<320000x128xf32, #tpu.memory_space<hbm>> -> memref<80x128xf32, #tpu.memory_space<hbm>>
        tpu.enqueue_dma source(%dma_start3A_43 : memref<80x128xf32, #tpu.memory_space<hbm>>) target(%arg7 : memref<80x128xf32, #tpu.memory_space<vmem>>) target_semaphore(%run_scoped3A : memref<!tpu.dma_semaphore, #tpu.memory_space<semaphore_mem>>)
        %dma_wait3A = arith.constant 0 : i32
        %dma_wait3A_44 = tpu.memref_slice %arg2[%add3A_40, %dma_wait3A] : memref<320000x128xf32, #tpu.memory_space<hbm>> -> memref<80x128xf32, #tpu.memory_space<hbm>>
        %dma_wait3A_45 = arith.constant 0 : i32
        %dma_wait3A_46 = tpu.memref_slice %arg2[%add3A_40, %dma_wait3A_45] : memref<320000x128xf32, #tpu.memory_space<hbm>> -> memref<80x128xf32, #tpu.memory_space<hbm>>
        tpu.wait_dma2 semaphore(%run_scoped3A : memref<!tpu.dma_semaphore, #tpu.memory_space<semaphore_mem>>) src(%dma_wait3A_46 : memref<80x128xf32, #tpu.memory_space<hbm>>) dst(%arg7 : memref<80x128xf32, #tpu.memory_space<vmem>>)
        tpu.yield
      }) : () -> ()
      "tpu.region"() ({
        %run_scoped3A = tpu.sem_alloc : memref<!tpu.dma_semaphore, #tpu.memory_space<semaphore_mem>>
        %dma_start3A = arith.constant 0 : i32
        %dma_start3A_41 = arith.constant 0 : i32
        %dma_start3A_42 = tpu.memref_slice %arg8[%dma_start3A, %dma_start3A_41] : memref<10240x128xf32, #tpu.memory_space<vmem_shared>> -> memref<10240x128xf32, #tpu.memory_space<vmem_shared>>
        tpu.enqueue_indirect_dma source(%arg7 : memref<80x128xf32, #tpu.memory_space<vmem>>) target(%dma_start3A_42 : memref<10240x128xf32, #tpu.memory_space<vmem_shared>>) offsets(%arg6 : memref<80xi32, #tpu.memory_space<vmem>>) semaphore(%run_scoped3A : memref<!tpu.dma_semaphore, #tpu.memory_space<semaphore_mem>>) {add = true}
        %dma_wait3A = arith.constant 0 : i32
        %dma_wait3A_43 = arith.constant 0 : i32
        %dma_wait3A_44 = tpu.memref_slice %arg8[%dma_wait3A, %dma_wait3A_43] : memref<10240x128xf32, #tpu.memory_space<vmem_shared>> -> memref<10240x128xf32, #tpu.memory_space<vmem_shared>>
        tpu.wait_indirect_dma semaphore(%run_scoped3A : memref<!tpu.dma_semaphore, #tpu.memory_space<semaphore_mem>>) src(%arg7 : memref<80x128xf32, #tpu.memory_space<vmem>>) dst(%dma_wait3A_44 : memref<10240x128xf32, #tpu.memory_space<vmem_shared>>)
        tpu.yield
      }) : () -> ()
    }
    %scan3A_25 = arith.constant 125 : i32
    %barrier3A_26 = arith.constant 0 : index
    tpu.barrier barrier_id(%barrier3A_26)
    %add3A_27 = arith.constant 0 : i32
    %add3A_28 = arith.addi %mul3A_4, %add3A_27 : i32
    "tpu.region"() ({
      %run_scoped3A = tpu.sem_alloc : memref<!tpu.dma_semaphore, #tpu.memory_space<semaphore_mem>>
      %dma_start3A = arith.constant 0 : i32
      %dma_start3A_37 = tpu.memref_slice %arg4[%arg0, %add3A_28, %dma_start3A] : memref<2x10240x128xf32, #tpu.memory_space<hbm>> -> memref<1x128x128xf32, #tpu.memory_space<hbm>>
      %dma_start3A_38 = tpu.memref_squeeze %dma_start3A_37 : memref<1x128x128xf32, #tpu.memory_space<hbm>> -> memref<128x128xf32, #tpu.memory_space<hbm>>
      %dma_start3A_39 = arith.constant 0 : i32
      %dma_start3A_40 = tpu.memref_slice %arg8[%add3A_28, %dma_start3A_39] : memref<10240x128xf32, #tpu.memory_space<vmem_shared>> -> memref<128x128xf32, #tpu.memory_space<vmem_shared>>
      tpu.enqueue_dma source(%dma_start3A_40 : memref<128x128xf32, #tpu.memory_space<vmem_shared>>) target(%dma_start3A_38 : memref<128x128xf32, #tpu.memory_space<hbm>>) target_semaphore(%run_scoped3A : memref<!tpu.dma_semaphore, #tpu.memory_space<semaphore_mem>>)
      %dma_wait3A = arith.constant 0 : i32
      %dma_wait3A_41 = tpu.memref_slice %arg4[%arg0, %add3A_28, %dma_wait3A] : memref<2x10240x128xf32, #tpu.memory_space<hbm>> -> memref<1x128x128xf32, #tpu.memory_space<hbm>>
      %dma_wait3A_42 = tpu.memref_squeeze %dma_wait3A_41 : memref<1x128x128xf32, #tpu.memory_space<hbm>> -> memref<128x128xf32, #tpu.memory_space<hbm>>
      %dma_wait3A_43 = arith.constant 0 : i32
      %dma_wait3A_44 = tpu.memref_slice %arg8[%add3A_28, %dma_wait3A_43] : memref<10240x128xf32, #tpu.memory_space<vmem_shared>> -> memref<128x128xf32, #tpu.memory_space<vmem_shared>>
      tpu.wait_dma2 semaphore(%run_scoped3A : memref<!tpu.dma_semaphore, #tpu.memory_space<semaphore_mem>>) src(%dma_wait3A_44 : memref<128x128xf32, #tpu.memory_space<vmem_shared>>) dst(%dma_wait3A_42 : memref<128x128xf32, #tpu.memory_space<hbm>>)
      tpu.yield
    }) : () -> ()
    %add3A_29 = arith.constant 128 : i32
    %add3A_30 = arith.addi %mul3A_4, %add3A_29 : i32
    "tpu.region"() ({
      %run_scoped3A = tpu.sem_alloc : memref<!tpu.dma_semaphore, #tpu.memory_space<semaphore_mem>>
      %dma_start3A = arith.constant 0 : i32
      %dma_start3A_37 = tpu.memref_slice %arg4[%arg0, %add3A_30, %dma_start3A] : memref<2x10240x128xf32, #tpu.memory_space<hbm>> -> memref<1x128x128xf32, #tpu.memory_space<hbm>>
      %dma_start3A_38 = tpu.memref_squeeze %dma_start3A_37 : memref<1x128x128xf32, #tpu.memory_space<hbm>> -> memref<128x128xf32, #tpu.memory_space<hbm>>
      %dma_start3A_39 = arith.constant 0 : i32
      %dma_start3A_40 = tpu.memref_slice %arg8[%add3A_30, %dma_start3A_39] : memref<10240x128xf32, #tpu.memory_space<vmem_shared>> -> memref<128x128xf32, #tpu.memory_space<vmem_shared>>
      tpu.enqueue_dma source(%dma_start3A_40 : memref<128x128xf32, #tpu.memory_space<vmem_shared>>) target(%dma_start3A_38 : memref<128x128xf32, #tpu.memory_space<hbm>>) target_semaphore(%run_scoped3A : memref<!tpu.dma_semaphore, #tpu.memory_space<semaphore_mem>>)
      %dma_wait3A = arith.constant 0 : i32
      %dma_wait3A_41 = tpu.memref_slice %arg4[%arg0, %add3A_30, %dma_wait3A] : memref<2x10240x128xf32, #tpu.memory_space<hbm>> -> memref<1x128x128xf32, #tpu.memory_space<hbm>>
      %dma_wait3A_42 = tpu.memref_squeeze %dma_wait3A_41 : memref<1x128x128xf32, #tpu.memory_space<hbm>> -> memref<128x128xf32, #tpu.memory_space<hbm>>
      %dma_wait3A_43 = arith.constant 0 : i32
      %dma_wait3A_44 = tpu.memref_slice %arg8[%add3A_30, %dma_wait3A_43] : memref<10240x128xf32, #tpu.memory_space<vmem_shared>> -> memref<128x128xf32, #tpu.memory_space<vmem_shared>>
      tpu.wait_dma2 semaphore(%run_scoped3A : memref<!tpu.dma_semaphore, #tpu.memory_space<semaphore_mem>>) src(%dma_wait3A_44 : memref<128x128xf32, #tpu.memory_space<vmem_shared>>) dst(%dma_wait3A_42 : memref<128x128xf32, #tpu.memory_space<hbm>>)
      tpu.yield
    }) : () -> ()
    %add3A_31 = arith.constant 256 : i32
    %add3A_32 = arith.addi %mul3A_4, %add3A_31 : i32
    "tpu.region"() ({
      %run_scoped3A = tpu.sem_alloc : memref<!tpu.dma_semaphore, #tpu.memory_space<semaphore_mem>>
      %dma_start3A = arith.constant 0 : i32
      %dma_start3A_37 = tpu.memref_slice %arg4[%arg0, %add3A_32, %dma_start3A] : memref<2x10240x128xf32, #tpu.memory_space<hbm>> -> memref<1x128x128xf32, #tpu.memory_space<hbm>>
      %dma_start3A_38 = tpu.memref_squeeze %dma_start3A_37 : memref<1x128x128xf32, #tpu.memory_space<hbm>> -> memref<128x128xf32, #tpu.memory_space<hbm>>
      %dma_start3A_39 = arith.constant 0 : i32
      %dma_start3A_40 = tpu.memref_slice %arg8[%add3A_32, %dma_start3A_39] : memref<10240x128xf32, #tpu.memory_space<vmem_shared>> -> memref<128x128xf32, #tpu.memory_space<vmem_shared>>
      tpu.enqueue_dma source(%dma_start3A_40 : memref<128x128xf32, #tpu.memory_space<vmem_shared>>) target(%dma_start3A_38 : memref<128x128xf32, #tpu.memory_space<hbm>>) target_semaphore(%run_scoped3A : memref<!tpu.dma_semaphore, #tpu.memory_space<semaphore_mem>>)
      %dma_wait3A = arith.constant 0 : i32
      %dma_wait3A_41 = tpu.memref_slice %arg4[%arg0, %add3A_32, %dma_wait3A] : memref<2x10240x128xf32, #tpu.memory_space<hbm>> -> memref<1x128x128xf32, #tpu.memory_space<hbm>>
      %dma_wait3A_42 = tpu.memref_squeeze %dma_wait3A_41 : memref<1x128x128xf32, #tpu.memory_space<hbm>> -> memref<128x128xf32, #tpu.memory_space<hbm>>
      %dma_wait3A_43 = arith.constant 0 : i32
      %dma_wait3A_44 = tpu.memref_slice %arg8[%add3A_32, %dma_wait3A_43] : memref<10240x128xf32, #tpu.memory_space<vmem_shared>> -> memref<128x128xf32, #tpu.memory_space<vmem_shared>>
      tpu.wait_dma2 semaphore(%run_scoped3A : memref<!tpu.dma_semaphore, #tpu.memory_space<semaphore_mem>>) src(%dma_wait3A_44 : memref<128x128xf32, #tpu.memory_space<vmem_shared>>) dst(%dma_wait3A_42 : memref<128x128xf32, #tpu.memory_space<hbm>>)
      tpu.yield
    }) : () -> ()
    %add3A_33 = arith.constant 384 : i32
    %add3A_34 = arith.addi %mul3A_4, %add3A_33 : i32
    "tpu.region"() ({
      %run_scoped3A = tpu.sem_alloc : memref<!tpu.dma_semaphore, #tpu.memory_space<semaphore_mem>>
      %dma_start3A = arith.constant 0 : i32
      %dma_start3A_37 = tpu.memref_slice %arg4[%arg0, %add3A_34, %dma_start3A] : memref<2x10240x128xf32, #tpu.memory_space<hbm>> -> memref<1x128x128xf32, #tpu.memory_space<hbm>>
      %dma_start3A_38 = tpu.memref_squeeze %dma_start3A_37 : memref<1x128x128xf32, #tpu.memory_space<hbm>> -> memref<128x128xf32, #tpu.memory_space<hbm>>
      %dma_start3A_39 = arith.constant 0 : i32
      %dma_start3A_40 = tpu.memref_slice %arg8[%add3A_34, %dma_start3A_39] : memref<10240x128xf32, #tpu.memory_space<vmem_shared>> -> memref<128x128xf32, #tpu.memory_space<vmem_shared>>
      tpu.enqueue_dma source(%dma_start3A_40 : memref<128x128xf32, #tpu.memory_space<vmem_shared>>) target(%dma_start3A_38 : memref<128x128xf32, #tpu.memory_space<hbm>>) target_semaphore(%run_scoped3A : memref<!tpu.dma_semaphore, #tpu.memory_space<semaphore_mem>>)
      %dma_wait3A = arith.constant 0 : i32
      %dma_wait3A_41 = tpu.memref_slice %arg4[%arg0, %add3A_34, %dma_wait3A] : memref<2x10240x128xf32, #tpu.memory_space<hbm>> -> memref<1x128x128xf32, #tpu.memory_space<hbm>>
      %dma_wait3A_42 = tpu.memref_squeeze %dma_wait3A_41 : memref<1x128x128xf32, #tpu.memory_space<hbm>> -> memref<128x128xf32, #tpu.memory_space<hbm>>
      %dma_wait3A_43 = arith.constant 0 : i32
      %dma_wait3A_44 = tpu.memref_slice %arg8[%add3A_34, %dma_wait3A_43] : memref<10240x128xf32, #tpu.memory_space<vmem_shared>> -> memref<128x128xf32, #tpu.memory_space<vmem_shared>>
      tpu.wait_dma2 semaphore(%run_scoped3A : memref<!tpu.dma_semaphore, #tpu.memory_space<semaphore_mem>>) src(%dma_wait3A_44 : memref<128x128xf32, #tpu.memory_space<vmem_shared>>) dst(%dma_wait3A_42 : memref<128x128xf32, #tpu.memory_space<hbm>>)
      tpu.yield
    }) : () -> ()
    %add3A_35 = arith.constant 512 : i32
    %add3A_36 = arith.addi %mul3A_4, %add3A_35 : i32
    "tpu.region"() ({
      %run_scoped3A = tpu.sem_alloc : memref<!tpu.dma_semaphore, #tpu.memory_space<semaphore_mem>>
      %dma_start3A = arith.constant 0 : i32
      %dma_start3A_37 = tpu.memref_slice %arg4[%arg0, %add3A_36, %dma_start3A] : memref<2x10240x128xf32, #tpu.memory_space<hbm>> -> memref<1x128x128xf32, #tpu.memory_space<hbm>>
      %dma_start3A_38 = tpu.memref_squeeze %dma_start3A_37 : memref<1x128x128xf32, #tpu.memory_space<hbm>> -> memref<128x128xf32, #tpu.memory_space<hbm>>
      %dma_start3A_39 = arith.constant 0 : i32
      %dma_start3A_40 = tpu.memref_slice %arg8[%add3A_36, %dma_start3A_39] : memref<10240x128xf32, #tpu.memory_space<vmem_shared>> -> memref<128x128xf32, #tpu.memory_space<vmem_shared>>
      tpu.enqueue_dma source(%dma_start3A_40 : memref<128x128xf32, #tpu.memory_space<vmem_shared>>) target(%dma_start3A_38 : memref<128x128xf32, #tpu.memory_space<hbm>>) target_semaphore(%run_scoped3A : memref<!tpu.dma_semaphore, #tpu.memory_space<semaphore_mem>>)
      %dma_wait3A = arith.constant 0 : i32
      %dma_wait3A_41 = tpu.memref_slice %arg4[%arg0, %add3A_36, %dma_wait3A] : memref<2x10240x128xf32, #tpu.memory_space<hbm>> -> memref<1x128x128xf32, #tpu.memory_space<hbm>>
      %dma_wait3A_42 = tpu.memref_squeeze %dma_wait3A_41 : memref<1x128x128xf32, #tpu.memory_space<hbm>> -> memref<128x128xf32, #tpu.memory_space<hbm>>
      %dma_wait3A_43 = arith.constant 0 : i32
      %dma_wait3A_44 = tpu.memref_slice %arg8[%add3A_36, %dma_wait3A_43] : memref<10240x128xf32, #tpu.memory_space<vmem_shared>> -> memref<128x128xf32, #tpu.memory_space<vmem_shared>>
      tpu.wait_dma2 semaphore(%run_scoped3A : memref<!tpu.dma_semaphore, #tpu.memory_space<semaphore_mem>>) src(%dma_wait3A_44 : memref<128x128xf32, #tpu.memory_space<vmem_shared>>) dst(%dma_wait3A_42 : memref<128x128xf32, #tpu.memory_space<hbm>>)
      tpu.yield
    }) : () -> ()
    return
  }
}

module attributes {stable_mosaic.version = 14 : i64} {
  func.func @_prep_body(%arg0: memref<10000x128xf32, #tpu.memory_space<vmem>>, %arg1: memref<128x128xf32, #tpu.memory_space<vmem>>, %arg2: memref<128x16xf32, #tpu.memory_space<vmem>>, %arg3: memref<64x128xf32, #tpu.memory_space<vmem>>, %arg4: memref<128x128xf32, #tpu.memory_space<vmem>>, %arg5: memref<10000x16xf32, #tpu.memory_space<vmem>>, %arg6: memref<64x128xf32, #tpu.memory_space<vmem>>) attributes {dimension_semantics = [], scalar_prefetch = 0 : i64, scratch_operands = 0 : i64, tpu.core_type = #tpu.core_type<tc>} {
    %get3A = arith.constant 0 : index
    %get3A_0 = arith.constant 0 : index
    %get3A_1 = vector.load %arg0[%get3A, %get3A_0] : memref<10000x128xf32, #tpu.memory_space<vmem>>, vector<10000x128xf32>
    %get3A_2 = arith.constant 0 : index
    %get3A_3 = arith.constant 0 : index
    %get3A_4 = vector.load %arg1[%get3A_2, %get3A_3] : memref<128x128xf32, #tpu.memory_space<vmem>>, vector<128x128xf32>
    %dot_general3A = arith.constant dense<0.000000e+00> : vector<10000x128xf32>
    %dot_general3A_5 = tpu.matmul %get3A_1, %get3A_4, %dot_general3A {dimension_numbers = #tpu.dot_dimension_numbers<[1], [0], [0], [1], [0, 0, 1, 1], [], []>, transpose_lhs_hint = false} : vector<10000x128xf32>, vector<128x128xf32>, vector<10000x128xf32> -> vector<10000x128xf32>
    %get3A_6 = arith.constant 0 : index
    %get3A_7 = arith.constant 0 : index
    %get3A_8 = vector.load %arg2[%get3A_6, %get3A_7] : memref<128x16xf32, #tpu.memory_space<vmem>>, vector<128x16xf32>
    %dot_general3A_9 = arith.constant dense<0.000000e+00> : vector<10000x16xf32>
    %dot_general3A_10 = tpu.matmul %dot_general3A_5, %get3A_8, %dot_general3A_9 {dimension_numbers = #tpu.dot_dimension_numbers<[1], [0], [0], [1], [0, 0, 1, 1], [], []>, transpose_lhs_hint = false} : vector<10000x128xf32>, vector<128x16xf32>, vector<10000x16xf32> -> vector<10000x16xf32>
    %swap3A = arith.constant 0 : index
    %swap3A_11 = arith.constant 0 : index
    %swap3A_12 = vector.load %arg5[%swap3A, %swap3A_11] : memref<10000x16xf32, #tpu.memory_space<vmem>>, vector<10000x16xf32>
    tpu.vector_store %arg5[%swap3A, %swap3A_11], %dot_general3A_10 {strides = array<i32>} : memref<10000x16xf32, #tpu.memory_space<vmem>>, vector<10000x16xf32>,
    %get3A_13 = arith.constant 0 : index
    %get3A_14 = arith.constant 0 : index
    %get3A_15 = vector.load %arg3[%get3A_13, %get3A_14] : memref<64x128xf32, #tpu.memory_space<vmem>>, vector<64x128xf32>
    %get3A_16 = arith.constant 0 : index
    %get3A_17 = arith.constant 0 : index
    %get3A_18 = vector.load %arg4[%get3A_16, %get3A_17] : memref<128x128xf32, #tpu.memory_space<vmem>>, vector<128x128xf32>
    %dot_general3A_19 = arith.constant dense<0.000000e+00> : vector<64x128xf32>
    %dot_general3A_20 = tpu.matmul %get3A_15, %get3A_18, %dot_general3A_19 {dimension_numbers = #tpu.dot_dimension_numbers<[1], [0], [0], [1], [0, 0, 1, 1], [], []>, transpose_lhs_hint = false} : vector<64x128xf32>, vector<128x128xf32>, vector<64x128xf32> -> vector<64x128xf32>
    %swap3A_21 = arith.constant 0 : index
    %swap3A_22 = arith.constant 0 : index
    %swap3A_23 = vector.load %arg6[%swap3A_21, %swap3A_22] : memref<64x128xf32, #tpu.memory_space<vmem>>, vector<64x128xf32>
    tpu.vector_store %arg6[%swap3A_21, %swap3A_22], %dot_general3A_20 {strides = array<i32>} : memref<64x128xf32, #tpu.memory_space<vmem>>, vector<64x128xf32>,
    return
  }
}

module attributes {stable_mosaic.version = 14 : i64} {
  func.func @_edge_body(%arg0: i32, %arg1: memref<1600x128xf32, #tpu.memory_space<vmem>>, %arg2: memref<1600x16xf32, #tpu.memory_space<vmem>>, %arg3: memref<1600x2xf32, #tpu.memory_space<vmem>>, %arg4: memref<64x128xf32, #tpu.memory_space<vmem>>, %arg5: memref<128x128xf32, #tpu.memory_space<vmem>>, %arg6: memref<128x16xf32, #tpu.memory_space<vmem>>, %arg7: memref<16x128xf32, #tpu.memory_space<vmem>>, %arg8: memref<1x128x128xf32, #tpu.memory_space<vmem>>, %arg9: memref<1600x128xf32, #tpu.memory_space<vmem>>) attributes {dimension_semantics = [#tpu.dimension_semantics<arbitrary>], iteration_bounds = array<i64: 200>, scalar_prefetch = 0 : i64, scratch_operands = 0 : i64, tpu.core_type = #tpu.core_type<tc>, window_params = [{transform_indices = @transform_0, window_bounds = array<i64: 1600, 128>}, {transform_indices = @transform_1, window_bounds = array<i64: 1600, 16>}, {transform_indices = @transform_2, window_bounds = array<i64: 1600, 2>}, {pipeline_mode = #tpu.pipeline_mode<synchronous>, transform_indices = @transform_3, window_bounds = array<i64: 64, 128>}, {pipeline_mode = #tpu.pipeline_mode<synchronous>, transform_indices = @transform_4, window_bounds = array<i64: 128, 128>}, {pipeline_mode = #tpu.pipeline_mode<synchronous>, transform_indices = @transform_5, window_bounds = array<i64: 128, 16>}, {pipeline_mode = #tpu.pipeline_mode<synchronous>, transform_indices = @transform_6, window_bounds = array<i64: 16, 128>}, {transform_indices = @transform_7, window_bounds = array<i64: 1, 128, 128>}, {transform_indices = @transform_8, window_bounds = array<i64: 1600, 128>}]} {
    %get3A = arith.constant 0 : index
    %get3A_0 = arith.constant 0 : index
    %get3A_1 = vector.load %arg1[%get3A, %get3A_0] : memref<1600x128xf32, #tpu.memory_space<vmem>>, vector<1600x128xf32>
    %get3A_2 = arith.constant 0 : index
    %get3A_3 = arith.constant 1 : index
    %get3A_4 = vector.load %arg3[%get3A_2, %get3A_3] : memref<1600x2xf32, #tpu.memory_space<vmem>>, vector<1600x1xf32>
    %iota3A = tpu.iota {dimensions = array<i32: 1>} : vector<1600x64xi32>
    %convert_element_type3A = arith.sitofp %iota3A : vector<1600x64xi32> to vector<1600x64xf32>
    %eq3A = vector.broadcast %get3A_4 : vector<1600x1xf32> to vector<1600x64xf32>
    %eq3A_5 = arith.cmpf oeq, %eq3A, %convert_element_type3A : vector<1600x64xf32>
    %convert_element_type3A_6 = arith.extui %eq3A_5 : vector<1600x64xi1> to vector<1600x64xi32>
    %convert_element_type3A_7 = arith.sitofp %convert_element_type3A_6 : vector<1600x64xi32> to vector<1600x64xf32>
    %get3A_8 = arith.constant 0 : index
    %get3A_9 = arith.constant 0 : index
    %get3A_10 = vector.load %arg4[%get3A_8, %get3A_9] : memref<64x128xf32, #tpu.memory_space<vmem>>, vector<64x128xf32>
    %dot_general3A = arith.constant dense<0.000000e+00> : vector<1600x128xf32>
    %dot_general3A_11 = tpu.matmul %convert_element_type3A_7, %get3A_10, %dot_general3A {dimension_numbers = #tpu.dot_dimension_numbers<[1], [0], [0], [1], [0, 0, 1, 1], [], []>, transpose_lhs_hint = false} : vector<1600x64xf32>, vector<64x128xf32>, vector<1600x128xf32> -> vector<1600x128xf32>
    %mul3A = arith.mulf %get3A_1, %dot_general3A_11 : vector<1600x128xf32>
    %get3A_12 = arith.constant 0 : index
    %get3A_13 = arith.constant 0 : index
    %get3A_14 = vector.load %arg5[%get3A_12, %get3A_13] : memref<128x128xf32, #tpu.memory_space<vmem>>, vector<128x128xf32>
    %dot_general3A_15 = arith.constant dense<0.000000e+00> : vector<1600x128xf32>
    %dot_general3A_16 = tpu.matmul %mul3A, %get3A_14, %dot_general3A_15 {dimension_numbers = #tpu.dot_dimension_numbers<[1], [0], [0], [1], [0, 0, 1, 1], [], []>, transpose_lhs_hint = false} : vector<1600x128xf32>, vector<128x128xf32>, vector<1600x128xf32> -> vector<1600x128xf32>
    %get3A_17 = arith.constant 0 : index
    %get3A_18 = arith.constant 0 : index
    %get3A_19 = vector.load %arg6[%get3A_17, %get3A_18] : memref<128x16xf32, #tpu.memory_space<vmem>>, vector<128x16xf32>
    %dot_general3A_20 = arith.constant dense<0.000000e+00> : vector<1600x16xf32>
    %dot_general3A_21 = tpu.matmul %dot_general3A_16, %get3A_19, %dot_general3A_20 {dimension_numbers = #tpu.dot_dimension_numbers<[1], [0], [0], [1], [0, 0, 1, 1], [], []>, transpose_lhs_hint = false} : vector<1600x128xf32>, vector<128x16xf32>, vector<1600x16xf32> -> vector<1600x16xf32>
    %get3A_22 = arith.constant 0 : index
    %get3A_23 = arith.constant 0 : index
    %get3A_24 = vector.load %arg2[%get3A_22, %get3A_23] : memref<1600x16xf32, #tpu.memory_space<vmem>>, vector<1600x16xf32>
    %add3A = arith.addf %dot_general3A_21, %get3A_24 : vector<1600x16xf32>
    %iota3A_25 = tpu.iota {dimensions = array<i32: 1>} : vector<1600x16xi32>
    %lt3A = arith.constant 4 : i32
    %lt3A_26 = vector.broadcast %lt3A : i32 to vector<1600x16xi32>
    %lt3A_27 = arith.cmpi slt, %iota3A_25, %lt3A_26 : vector<1600x16xi32>
    %convert_element_type3A_28 = arith.extui %lt3A_27 : vector<1600x16xi1> to vector<1600x16xi32>
    %convert_element_type3A_29 = arith.sitofp %convert_element_type3A_28 : vector<1600x16xi32> to vector<1600x16xf32>
    %max3A = arith.constant 0.000000e+00 : f32
    %max3A_30 = vector.broadcast %max3A : f32 to vector<1600x16xf32>
    %max3A_31 = arith.maximumf %add3A, %max3A_30 : vector<1600x16xf32>
    %mul3A_32 = arith.mulf %max3A_31, %convert_element_type3A_29 : vector<1600x16xf32>
    %reduce_max3A = arith.constant dense<0xFF800000> : vector<1600xf32>
    %reduce_max3A_33 = vector.multi_reduction <maximumf>, %mul3A_32, %reduce_max3A [1] : vector<1600x16xf32> to vector<1600xf32>
    %broadcast_in_dim3A = vector.shape_cast %reduce_max3A_33 : vector<1600xf32> to vector<1600x1xf32>
    %sub3A = vector.broadcast %broadcast_in_dim3A : vector<1600x1xf32> to vector<1600x16xf32>
    %sub3A_34 = arith.subf %mul3A_32, %sub3A : vector<1600x16xf32>
    %exp3A = math.exp %sub3A_34 : vector<1600x16xf32>
    %mul3A_35 = arith.mulf %exp3A, %convert_element_type3A_29 : vector<1600x16xf32>
    %reduce_sum3A = arith.constant dense<0.000000e+00> : vector<1600xf32>
    %reduce_sum3A_36 = vector.multi_reduction <add>, %mul3A_35, %reduce_sum3A [1] : vector<1600x16xf32> to vector<1600xf32>
    %broadcast_in_dim3A_37 = vector.shape_cast %reduce_sum3A_36 : vector<1600xf32> to vector<1600x1xf32>
    %div3A = vector.broadcast %broadcast_in_dim3A_37 : vector<1600x1xf32> to vector<1600x16xf32>
    %div3A_38 = arith.divf %mul3A_35, %div3A : vector<1600x16xf32>
    %get3A_39 = arith.constant 0 : index
    %get3A_40 = arith.constant 0 : index
    %get3A_41 = vector.load %arg7[%get3A_39, %get3A_40] : memref<16x128xf32, #tpu.memory_space<vmem>>, vector<16x128xf32>
    %dot_general3A_42 = arith.constant dense<0.000000e+00> : vector<1600x128xf32>
    %dot_general3A_43 = tpu.matmul %div3A_38, %get3A_41, %dot_general3A_42 {dimension_numbers = #tpu.dot_dimension_numbers<[1], [0], [0], [1], [0, 0, 1, 1], [], []>, transpose_lhs_hint = false} : vector<1600x16xf32>, vector<16x128xf32>, vector<1600x128xf32> -> vector<1600x128xf32>
    %mul3A_44 = arith.mulf %dot_general3A_16, %dot_general3A_43 : vector<1600x128xf32>
    %get3A_45 = arith.constant 0 : index
    %get3A_46 = arith.constant 0 : index
    %get3A_47 = vector.load %arg3[%get3A_45, %get3A_46] : memref<1600x2xf32, #tpu.memory_space<vmem>>, vector<1600x1xf32>
    %mul3A_48 = vector.broadcast %get3A_47 : vector<1600x1xf32> to vector<1600x128xf32>
    %mul3A_49 = arith.mulf %mul3A_44, %mul3A_48 : vector<1600x128xf32>
    %get3A_50 = arith.constant 0 : index
    %get3A_51 = arith.constant 0 : index
    %get3A_52 = arith.constant 0 : index
    %get3A_53 = vector.load %arg8[%get3A_50, %get3A_51, %get3A_52] : memref<1x128x128xf32, #tpu.memory_space<vmem>>, vector<1x128x128xf32>
    %get3A_54 = vector.shape_cast %get3A_53 : vector<1x128x128xf32> to vector<128x128xf32>
    %dot_general3A_55 = arith.constant dense<0.000000e+00> : vector<1600x128xf32>
    %dot_general3A_56 = tpu.matmul %mul3A_49, %get3A_54, %dot_general3A_55 {dimension_numbers = #tpu.dot_dimension_numbers<[1], [0], [0], [1], [0, 0, 1, 1], [], []>, transpose_lhs_hint = false} : vector<1600x128xf32>, vector<128x128xf32>, vector<1600x128xf32> -> vector<1600x128xf32>
    %swap3A = arith.constant 0 : index
    %swap3A_57 = arith.constant 0 : index
    %swap3A_58 = vector.load %arg9[%swap3A, %swap3A_57] : memref<1600x128xf32, #tpu.memory_space<vmem>>, vector<1600x128xf32>
    tpu.vector_store %arg9[%swap3A, %swap3A_57], %dot_general3A_56 {strides = array<i32>} : memref<1600x128xf32, #tpu.memory_space<vmem>>, vector<1600x128xf32>,
    return
  }
  func.func @transform_0(%arg0: i32) -> (i32, i32) {
    %c0_i32 = arith.constant 0 : i32
    %c0_i32_0 = arith.constant 0 : i32
    return %arg0, %c0_i32 : i32, i32
  }
  func.func @transform_1(%arg0: i32) -> (i32, i32) {
    %c0_i32 = arith.constant 0 : i32
    %c0_i32_0 = arith.constant 0 : i32
    return %arg0, %c0_i32 : i32, i32
  }
  func.func @transform_2(%arg0: i32) -> (i32, i32) {
    %c0_i32 = arith.constant 0 : i32
    %c0_i32_0 = arith.constant 0 : i32
    return %arg0, %c0_i32 : i32, i32
  }
  func.func @transform_3(%arg0: i32) -> (i32, i32) {
    %c0_i32 = arith.constant 0 : i32
    %c0_i32_0 = arith.constant 0 : i32
    %c0_i32_1 = arith.constant 0 : i32
    return %c0_i32, %c0_i32_0 : i32, i32
  }
  func.func @transform_4(%arg0: i32) -> (i32, i32) {
    %c0_i32 = arith.constant 0 : i32
    %c0_i32_0 = arith.constant 0 : i32
    %c0_i32_1 = arith.constant 0 : i32
    return %c0_i32, %c0_i32_0 : i32, i32
  }
  func.func @transform_5(%arg0: i32) -> (i32, i32) {
    %c0_i32 = arith.constant 0 : i32
    %c0_i32_0 = arith.constant 0 : i32
    %c0_i32_1 = arith.constant 0 : i32
    return %c0_i32, %c0_i32_0 : i32, i32
  }
  func.func @transform_6(%arg0: i32) -> (i32, i32) {
    %c0_i32 = arith.constant 0 : i32
    %c0_i32_0 = arith.constant 0 : i32
    %c0_i32_1 = arith.constant 0 : i32
    return %c0_i32, %c0_i32_0 : i32, i32
  }
  func.func @transform_7(%arg0: i32) -> (i32, i32, i32) {
    %jit3A = arith.constant 100 : i32
    %div3A = arith.divsi %arg0, %jit3A : i32
    %sign3A = arith.constant 0 : i32
    %sign3A_0 = arith.cmpi sgt, %arg0, %sign3A : i32
    %sign3A_1 = arith.extui %sign3A_0 : i1 to i32
    %sign3A_2 = arith.constant 0 : i32
    %sign3A_3 = arith.cmpi slt, %arg0, %sign3A_2 : i32
    %sign3A_4 = arith.extui %sign3A_3 : i1 to i32
    %sign3A_5 = arith.subi %sign3A_1, %sign3A_4 : i32
    %sign3A_6 = arith.constant 0 : i32
    %sign3A_7 = arith.cmpi sgt, %jit3A, %sign3A_6 : i32
    %sign3A_8 = arith.extui %sign3A_7 : i1 to i32
    %sign3A_9 = arith.constant 0 : i32
    %sign3A_10 = arith.cmpi slt, %jit3A, %sign3A_9 : i32
    %sign3A_11 = arith.extui %sign3A_10 : i1 to i32
    %sign3A_12 = arith.subi %sign3A_8, %sign3A_11 : i32
    %ne3A = arith.cmpi ne, %sign3A_5, %sign3A_12 : i32
    %rem3A = arith.remsi %arg0, %jit3A : i32
    %ne3A_13 = arith.constant 0 : i32
    %ne3A_14 = arith.cmpi ne, %rem3A, %ne3A_13 : i32
    %and3A = arith.andi %ne3A, %ne3A_14 : i1
    %sub3A = arith.constant 1 : i32
    %sub3A_15 = arith.subi %div3A, %sub3A : i32
    %select_n3A = arith.select %and3A, %sub3A_15, %div3A : i32
    %c0_i32 = arith.constant 0 : i32
    %c0_i32_16 = arith.constant 0 : i32
    %c0_i32_17 = arith.constant 0 : i32
    return %select_n3A, %c0_i32, %c0_i32_16 : i32, i32, i32
  }
  func.func @transform_8(%arg0: i32) -> (i32, i32) {
    %c0_i32 = arith.constant 0 : i32
    %c0_i32_0 = arith.constant 0 : i32
    return %arg0, %c0_i32 : i32, i32
  }
}

module attributes {stable_mosaic.version = 14 : i64} {
  func.func @_final_body(%arg0: memref<2x10240x128xf32, #tpu.memory_space<vmem>>, %arg1: memref<1x128xf32, #tpu.memory_space<vmem>>, %arg2: memref<128x128xf32, #tpu.memory_space<vmem>>, %arg3: memref<1x128xf32, #tpu.memory_space<vmem>>, %arg4: memref<1x128xf32, #tpu.memory_space<vmem>>, %arg5: memref<1x128xf32, #tpu.memory_space<vmem>>, %arg6: memref<10000x128xf32, #tpu.memory_space<vmem>>) attributes {dimension_semantics = [], scalar_prefetch = 0 : i64, scratch_operands = 0 : i64, tpu.core_type = #tpu.core_type<tc>} {
    %get3A = arith.constant 0 : index
    %get3A_0 = arith.constant 0 : index
    %get3A_1 = arith.constant 0 : index
    %get3A_2 = vector.load %arg0[%get3A, %get3A_0, %get3A_1] : memref<2x10240x128xf32, #tpu.memory_space<vmem>>, vector<1x10000x128xf32>
    %get3A_3 = vector.shape_cast %get3A_2 : vector<1x10000x128xf32> to vector<10000x128xf32>
    %get3A_4 = arith.constant 1 : index
    %get3A_5 = arith.constant 0 : index
    %get3A_6 = arith.constant 0 : index
    %get3A_7 = vector.load %arg0[%get3A_4, %get3A_5, %get3A_6] : memref<2x10240x128xf32, #tpu.memory_space<vmem>>, vector<1x10000x128xf32>
    %get3A_8 = vector.shape_cast %get3A_7 : vector<1x10000x128xf32> to vector<10000x128xf32>
    %add3A = arith.addf %get3A_3, %get3A_8 : vector<10000x128xf32>
    %mul3A = arith.constant 0.333333343 : f32
    %mul3A_9 = vector.broadcast %mul3A : f32 to vector<10000x128xf32>
    %mul3A_10 = arith.mulf %add3A, %mul3A_9 : vector<10000x128xf32>
    %get3A_11 = arith.constant 0 : index
    %get3A_12 = arith.constant 0 : index
    %get3A_13 = vector.load %arg1[%get3A_11, %get3A_12] : memref<1x128xf32, #tpu.memory_space<vmem>>, vector<1x128xf32>
    %mul3A_14 = vector.broadcast %get3A_13 : vector<1x128xf32> to vector<10000x128xf32>
    %mul3A_15 = arith.mulf %mul3A_10, %mul3A_14 : vector<10000x128xf32>
    %get3A_16 = arith.constant 0 : index
    %get3A_17 = arith.constant 0 : index
    %get3A_18 = vector.load %arg2[%get3A_16, %get3A_17] : memref<128x128xf32, #tpu.memory_space<vmem>>, vector<128x128xf32>
    %dot_general3A = arith.constant dense<0.000000e+00> : vector<10000x128xf32>
    %dot_general3A_19 = tpu.matmul %mul3A_15, %get3A_18, %dot_general3A {dimension_numbers = #tpu.dot_dimension_numbers<[1], [0], [0], [1], [0, 0, 1, 1], [], []>, transpose_lhs_hint = false} : vector<10000x128xf32>, vector<128x128xf32>, vector<10000x128xf32> -> vector<10000x128xf32>
    %mul3A_20 = arith.constant 0.333333343 : f32
    %mul3A_21 = vector.broadcast %mul3A_20 : f32 to vector<10000x128xf32>
    %mul3A_22 = arith.mulf %dot_general3A_19, %mul3A_21 : vector<10000x128xf32>
    %add3A_23 = arith.addf %mul3A_10, %mul3A_22 : vector<10000x128xf32>
    %get3A_24 = arith.constant 0 : index
    %get3A_25 = arith.constant 0 : index
    %get3A_26 = vector.load %arg3[%get3A_24, %get3A_25] : memref<1x128xf32, #tpu.memory_space<vmem>>, vector<1x128xf32>
    %add3A_27 = vector.broadcast %get3A_26 : vector<1x128xf32> to vector<10000x128xf32>
    %add3A_28 = arith.addf %add3A_23, %add3A_27 : vector<10000x128xf32>
    %reduce_sum3A = arith.constant dense<0.000000e+00> : vector<128xf32>
    %reduce_sum3A_29 = vector.multi_reduction <add>, %add3A_28, %reduce_sum3A [0] : vector<10000x128xf32> to vector<128xf32>
    %broadcast_in_dim3A = vector.shape_cast %reduce_sum3A_29 : vector<128xf32> to vector<1x128xf32>
    %div3A = arith.constant 1.000000e+04 : f32
    %div3A_30 = vector.broadcast %div3A : f32 to vector<1x128xf32>
    %div3A_31 = arith.divf %broadcast_in_dim3A, %div3A_30 : vector<1x128xf32>
    %sub3A = vector.broadcast %div3A_31 : vector<1x128xf32> to vector<10000x128xf32>
    %sub3A_32 = arith.subf %add3A_28, %sub3A : vector<10000x128xf32>
    %sub3A_33 = vector.broadcast %div3A_31 : vector<1x128xf32> to vector<10000x128xf32>
    %sub3A_34 = arith.subf %add3A_28, %sub3A_33 : vector<10000x128xf32>
    %mul3A_35 = arith.mulf %sub3A_32, %sub3A_34 : vector<10000x128xf32>
    %reduce_sum3A_36 = arith.constant dense<0.000000e+00> : vector<128xf32>
    %reduce_sum3A_37 = vector.multi_reduction <add>, %mul3A_35, %reduce_sum3A_36 [0] : vector<10000x128xf32> to vector<128xf32>
    %broadcast_in_dim3A_38 = vector.shape_cast %reduce_sum3A_37 : vector<128xf32> to vector<1x128xf32>
    %div3A_39 = arith.constant 1.000000e+04 : f32
    %div3A_40 = vector.broadcast %div3A_39 : f32 to vector<1x128xf32>
    %div3A_41 = arith.divf %broadcast_in_dim3A_38, %div3A_40 : vector<1x128xf32>
    %sub3A_42 = vector.broadcast %div3A_31 : vector<1x128xf32> to vector<10000x128xf32>
    %sub3A_43 = arith.subf %add3A_28, %sub3A_42 : vector<10000x128xf32>
    %add3A_44 = arith.constant 9.99999974E-6 : f32
    %add3A_45 = vector.broadcast %add3A_44 : f32 to vector<1x128xf32>
    %add3A_46 = arith.addf %div3A_41, %add3A_45 : vector<1x128xf32>
    %rsqrt3A = math.rsqrt %add3A_46 : vector<1x128xf32>
    %mul3A_47 = vector.broadcast %rsqrt3A : vector<1x128xf32> to vector<10000x128xf32>
    %mul3A_48 = arith.mulf %sub3A_43, %mul3A_47 : vector<10000x128xf32>
    %get3A_49 = arith.constant 0 : index
    %get3A_50 = arith.constant 0 : index
    %get3A_51 = vector.load %arg4[%get3A_49, %get3A_50] : memref<1x128xf32, #tpu.memory_space<vmem>>, vector<1x128xf32>
    %mul3A_52 = vector.broadcast %get3A_51 : vector<1x128xf32> to vector<10000x128xf32>
    %mul3A_53 = arith.mulf %mul3A_48, %mul3A_52 : vector<10000x128xf32>
    %get3A_54 = arith.constant 0 : index
    %get3A_55 = arith.constant 0 : index
    %get3A_56 = vector.load %arg5[%get3A_54, %get3A_55] : memref<1x128xf32, #tpu.memory_space<vmem>>, vector<1x128xf32>
    %add3A_57 = vector.broadcast %get3A_56 : vector<1x128xf32> to vector<10000x128xf32>
    %add3A_58 = arith.addf %mul3A_53, %add3A_57 : vector<10000x128xf32>
    %max3A = arith.constant 0.000000e+00 : f32
    %max3A_59 = vector.broadcast %max3A : f32 to vector<10000x128xf32>
    %max3A_60 = arith.maximumf %add3A_58, %max3A_59 : vector<10000x128xf32>
    %swap3A = arith.constant 0 : index
    %swap3A_61 = arith.constant 0 : index
    %swap3A_62 = vector.load %arg6[%swap3A, %swap3A_61] : memref<10000x128xf32, #tpu.memory_space<vmem>>, vector<10000x128xf32>
    tpu.vector_store %arg6[%swap3A, %swap3A_61], %max3A_60 {strides = array<i32>} : memref<10000x128xf32, #tpu.memory_space<vmem>>, vector<10000x128xf32>,
    return
  }
}

</mosaic_0001>

<sc_bundles>
// kernel: kernel.10.cloned.1.call-start
scs
__scs_entry_jumppad:
0x0: {  	(pc) =	sbr.rel $0x88, $3  }
0x1: {  	(tag) =	ssettag $0x0;
	lr =	simm.s32 $0x1  }
0x2: {  	[smem:$0x3F91] =	sst lr;
	_ =	strace $0xD0000000  }
0x3: {  	_ = 	snop  }
0x4: {  	_ = 	snop  }
0x5: {  	_ = 	snop  }
0x6: {  	_ = 	snop  }
0x7: {  	_ = 	snop  }
__scs_overlays_trampoline_lowered:
0x8: {  	[smem:$0x3FA0] =	sst s0  }
0x9: {  	[smem:$0x3FA1] =	sst s1  }
0xa: {  	[smem:$0x3FA2] =	sst s2  }
0xb: {  	[smem:$0x3FA3] =	sst s3  }
0xc: {  	[smem:$0x3FA4] =	sst s4  }
0xd: {  	[smem:$0x3FA5] =	sst s5  }
0xe: {  	[smem:$0x3FA6] =	sst s6  }
0xf: {  	[smem:$0x3FA7] =	sst s7  }
0x10: {  	[smem:$0x3FA8] =	sst s8  }
0x11: {  	[smem:$0x3FA9] =	sst s9;
	s0 =	simm.s32 @!p0 $0x0  }
0x12: {  	s1 =	sld [smem:$0x3F8F];
	s0 =	simm.s32 @p0 $0x1  }
0x13: {  	[smem:$0x3FAA] =	sst s0;
	s0 =	simm.s32 @!p1 $0x0  }
0x14: {  	s2 =	sld [smem:$0x3F8E];
	s0 =	simm.s32 @p1 $0x1  }
0x15: {  	[smem:$0x3FAB] =	sst s0;
	s0 =	simm.s32 @!p2 $0x0  }
0x16: {  	s3 =	sld [smem:$0x3FDB];
	s0 =	simm.s32 @p2 $0x1  }
0x17: {  	s4 =	simm.s32 $0x1BF5;
	[smem:$0x3FAD] =	sst s0  }
0x18: {  	s0 =	sld [smem:$0x3F90];
	_ =	swait.ge [sflag:s4], $0x0  }
0x19: {  	s7 =	sld [smem:$0x3F91]  }
0x1a: {  	s8 =	sadd.s32 $0xFFFFE003, lr  }
0x1b: {  	s9 =	sadd.s32 $0xFFFFFEF7, lr;
	s5 =	simm.s32 $0xFFFFFFFF;
	p2 =	slt.u32 s8, $0xFFFFF086  }
0x1c: {  	p1 =	slt.u32 s9, $0xF7A;
	s5 =	simm.s32 @!p2 $0x0  }
0x1d: {  	s5 =	simm.s32 @p1 $0x1;
	p0 =	seq.s32 s7, s2  }
0x1e: {  	s7 =	smul.u32 @!p0 $0xF7A, s2;
	p2 =	seq.s32 @!p0 s5, $0x0  }
0x1f: {  	s9 =	smul.u32 $0xF7A, s1;
	s8 =	simm.s32 @!p0 $0x1BF5;
	p2 =	por !p2, p0  }
0x20: {  	[sflag:s8] =	ssyncset.s32 @!p0 $0xFFFFF086;
	s6 =	sadd.s32 @!p0 s3, s7;
	s7 =	simm.s32 @!p0 $0x108  }
0x21: {  	s3 =	sadd.s32 s3, s9;
	s6 =	sadd.s32 @!p0 $0x88, s6;
	s7 =	simm.s32 @p2 $0x1082  }
0x22: {  	[simem:s7], [sflag:s8] =	dma.local @!p0 [hbm:s6], $0xF7A  }
0x23: {  	s9 =	sor.u32 $0xD0000000, s2;
	s6 =	simm.s32 $0x108;
	_ =	swait.ge @!p0 [sflag:s8], $0x0  }
0x24: {  	s3 =	sadd.s32 $0x88, s3;
	s6 =	simm.s32 @!p1 $0x1082;
	[sflag:s4] =	ssyncset.s32 $0xFFFFF086  }
0x25: {  	[simem:s6], [sflag:s4] =	dma.local [hbm:s3], $0xF7A  }
0x26: {  	[smem:$0x3F91] =	sst s1;
	(tag) =	ssettag s2;
	_ =	strace s9  }
0x27: {  	s1 =	sld [smem:$0x3FA1]  }
0x28: {  	s2 =	sld [smem:$0x3FA2]  }
0x29: {  	s4 =	sld [smem:$0x3FA4]  }
0x2a: {  	p0 =	seq.s32 s5, $0x0;
	s5 =	sld [smem:$0x3FA5]  }
0x2b: {  	s6 =	sld [smem:$0x3FA6]  }
0x2c: {  	s7 =	sld [smem:$0x3FA7]  }
0x2d: {  	s3 =	simm.s32 $0x108;
	s8 =	sld [smem:$0x3FA8]  }
0x2e: {  	s3 =	simm.s32 @!p0 $0x1082;
	s9 =	sld [smem:$0x3FA9]  }
0x2f: {  	lr =	sadd.s32 s0, s3;
	s0 =	sld [smem:$0x3FA0]  }
0x30: {  	s3 =	sld [smem:$0x3FA3]  }
0x31: {  	[smem:$0x3FAC] =	sst s10  }
0x32: {  	s10 =	sld [smem:$0x3FAA];
	_ =	sdelay $0x3  }
0x33: {  	p0 =	seq.s32 s10, $0x1;
	s10 =	sld [smem:$0x3FAC];
	_ =	sdelay $0x3  }
0x34: {  	[smem:$0x3FAC] =	sst s10  }
0x35: {  	s10 =	sld [smem:$0x3FAB];
	_ =	sdelay $0x3  }
0x36: {  	p1 =	seq.s32 s10, $0x1;
	s10 =	sld [smem:$0x3FAC];
	_ =	sdelay $0x3  }
0x37: {  	[smem:$0x3FAC] =	sst s10  }
0x38: {  	s10 =	sld [smem:$0x3FAD]  }
0x39: {  	_ = 	snop;
	(pc) =	sbr.ind lr, $3  }
0x3a: {  	_ = 	snop  }
0x3b: {  	_ = 	snop  }
0x3c: {  	p2 =	seq.s32 s10, $0x1;
	s10 =	sld [smem:$0x3FAC]  }
0x3d: {  	_ =	shalt  }
0x3e: {  	_ =	shalt  }
0x3f: {  	_ =	shalt  }
0x40: {  	_ =	shalt  }
0x41: {  	_ =	shalt  }
0x42: {  	_ =	shalt  }
0x43: {  	_ =	shalt  }
0x44: {  	_ =	shalt  }
0x45: {  	_ =	shalt  }
0x46: {  	_ =	shalt  }
0x47: {  	_ =	shalt  }
0x48: {  	_ =	shalt  }
0x49: {  	_ =	shalt  }
0x4a: {  	_ =	shalt  }
0x4b: {  	_ =	shalt  }
0x4c: {  	_ =	shalt  }
0x4d: {  	_ =	shalt  }
0x4e: {  	_ =	shalt  }
0x4f: {  	_ =	shalt  }
0x50: {  	_ =	shalt  }
0x51: {  	_ =	shalt  }
0x52: {  	_ =	shalt  }
0x53: {  	_ =	shalt  }
0x54: {  	_ =	shalt  }
0x55: {  	_ =	shalt  }
0x56: {  	_ =	shalt  }
0x57: {  	_ =	shalt  }
0x58: {  	_ =	shalt  }
0x59: {  	_ =	shalt  }
0x5a: {  	_ =	shalt  }
0x5b: {  	_ =	shalt  }
0x5c: {  	_ =	shalt  }
0x5d: {  	_ =	shalt  }
0x5e: {  	_ =	shalt  }
0x5f: {  	_ =	shalt  }
0x60: {  	_ =	shalt  }
0x61: {  	_ =	shalt  }
0x62: {  	_ =	shalt  }
0x63: {  	_ =	shalt  }
0x64: {  	_ =	shalt  }
0x65: {  	_ =	shalt  }
0x66: {  	_ =	shalt  }
0x67: {  	_ =	shalt  }
0x68: {  	_ =	shalt  }
0x69: {  	_ =	shalt  }
0x6a: {  	_ =	shalt  }
0x6b: {  	_ =	shalt  }
0x6c: {  	_ =	shalt  }
0x6d: {  	_ =	shalt  }
0x6e: {  	_ =	shalt  }
0x6f: {  	_ =	shalt  }
0x70: {  	_ =	shalt  }
0x71: {  	_ =	shalt  }
0x72: {  	_ =	shalt  }
0x73: {  	_ =	shalt  }
0x74: {  	_ =	shalt  }
0x75: {  	_ =	shalt  }
0x76: {  	_ =	shalt  }
0x77: {  	_ =	shalt  }
0x78: {  	_ =	shalt  }
0x79: {  	_ =	shalt  }
0x7a: {  	_ =	shalt  }
0x7b: {  	_ =	shalt  }
0x7c: {  	_ =	shalt  }
0x7d: {  	_ =	shalt  }
0x7e: {  	_ =	shalt  }
0x7f: {  	_ =	shalt  }
0x80: {  	_ =	shalt  }
0x81: {  	_ =	shalt  }
0x82: {  	_ =	shalt  }
0x83: {  	_ =	shalt  }
0x84: {  	_ =	shalt  }
0x85: {  	_ =	shalt  }
0x86: {  	_ =	shalt  }
0x87: {  	_ =	shalt  }
.Lfunc_end0:
.L_simem_size_0:
called_computation.1_lowered:
.L_overlay_start_0:
0x88: {  	s2 =	sld [smem:$0x3FD9]  }
0x89: {  	s3 =	sld [smem:$0x3FFE];
	_ =	sdelay $0x1  }
0x8a: {  	s1 =	srdreg.scid  }
0x8b: {  	s0 =	sand.u32 $0x1, s1  }
0x8c: {  	s14 =	sshll.u32 s0, $0xA;
	s2 =	sadd.s32 s3, s2  }
0x8d: {  	s2 =	sadd.s32 s2, s14  }
0x8e: {  	[smem:$0x3FB8] =	sst s2  }
0x8f: {  	_ = 	snop  }
0x90: {  	s2 =	sld [smem:$0x3FD0];
	_ =	sdelay $0x2  }
0x91: {  	s15 =	simm.s32 $0xA;
	s4 =	simm.s32 $0x10  }
0x92: {  	[smem:s4], [sflag:s15] =	dma.local [hbm:s2], $0x1  }
0x93: {  	_ =	swait.eq [sflag:s15], $0x1  }
0x94: {  	[sflag:s15] =	ssyncset.done $0x0  }
0x95: {  	[sflag:s15] =	ssyncadd.s32 $0xFFFFFFFF  }
0x96: {  	s16 =	sld [smem:$0x10];
	(tm) =	ssettm $0x1  }
0x97: {  	s17 =	sld [smem:$0x3FFB];
	_ =	sdelay $0x3  }
0x98: {  	_ =	strace s17  }
0x99: {  	s3 =	sld [smem:$0x3FFC];
	_ =	sdelay $0x3  }
0x9a: {  	_ =	strace s3  }
0x9b: {  	s3 =	sld [smem:$0x3FFD];
	_ =	sdelay $0x3  }
0x9c: {  	_ =	strace s3  }
0x9d: {  	_ =	strace $0x8FFFFFFF  }
0x9e: {  	s18 =	sld [smem:$0x3FDB];
	_ =	sdelay $0x1  }
0x9f: {  	s19 =	simm.s32 $_scs_section_size  }
0xa0: {  	s5 =	simm.s32 $_size__tile_overlayer_lowered;
	s6 =	simm.s32 $_tile_overlayer_lowered  }
0xa1: {  	s22 =	simm.s32 $0x1BFF;
	s21 =	sshll.u32 s6, $0x1;
	s3 =	sadd.s32 s19, s18  }
0xa2: {  	s7 =	simm.s32 $0x0;
	s20 =	sshll.u32 s5, $0x1;
	s5 =	sadd.s32 s21, s3  }
0xa3: {  	[timem:s7], [sflag:s22] =	dma.local [hbm:s5], s20  }
0xa4: {  	_ =	swait.ge [sflag:s22], s20  }
0xa5: {  	s4 =	ssub.s32 $0x0, s20;
	[sflag:s22] =	ssyncset.done $0x0  }
0xa6: {  	[sflag:s22] =	ssyncadd.s32 s4;
	_ =	sdelay $0x1  }
0xa7: {  	s23 =	simm.s32 $0x1B8B  }
0xa8: {  	_ =	swait.ge [sflag:s23], $0x1  }
0xa9: {  	[sflag:s23] =	ssyncset.done $0x0  }
0xaa: {  	s25 =	simm.s32 $0x1B8E;
	s24 =	sld [smem:$0x3FFE];
	[sflag:s23] =	ssyncadd.s32 $0xFFFFFFFF  }
0xab: {  	s26 =	simm.s32 $execute0_lowered;
	[smem:$0x3FD2] =	sst s25  }
0xac: {  	s5 =	sshll.u32 s26, $0x1;
	_ =	strace $0x80000049;
	[dreg:$0x1] =	wrdreg $0xFFFFFFFF  }
0xad: {  	s28 =	simm.s32 $_size_execute0_lowered;
	s3 =	sadd.s32 s3, s5;
	[dreg:$0x0] =	wrdreg $0x0  }
0xae: {  	s5 =	sshll.u32 s28, $0x1;
	[dreg:$0x2] =	wrdreg s3  }
0xaf: {  	[dreg:$0x3] =	wrdreg s5  }
0xb0: {  	[dreg:$0x4] =	wrdreg $0xC0  }
0xb1: {  	_ =	task [dreg:s7], $0x5FFFF  }
0xb2: {  	[dreg:$0x1] =	wrdreg $0xFFFFFFFF  }
0xb3: {  	[dreg:$0x0] =	wrdreg $0x60  }
0xb4: {  	[dreg:$0x2] =	wrdreg s24  }
0xb5: {  	[dreg:$0x3] =	wrdreg s16  }
0xb6: {  	[dreg:$0x4] =	wrdreg $0x68800  }
0xb7: {  	[dreg:$0x5] =	wrdreg $0x9  }
0xb8: {  	_ =	task.clear_ibuf [dreg:s7], $0x6FFFF;
	_ =	strace $0x90000049  }
0xb9: {  	s29 =	simm.s32 $0x9;
	_ =	strace $0x8000004B  }
0xba: {  	_ =	swait.ge [sflag:s29], $0x1  }
0xbb: {  	[sflag:s29] =	ssyncadd.s32 $0xFFFFFFFF  }
0xbc: {  	_ =	strace $0x9000004B  }
0xbd: {  	_ =	sfence  }
0xbe: {  	s30 =	sld [smem:$0x0];
	_ =	sdelay $0x2  }
0xbf: {  	s31 =	sshll.u32 s1, $0xD;
	s1 =	sshrl.u32 s1, $0x2  }
0xc0: {  	s3 =	sand.u32 $0x4000, s31;
	s1 =	sadd.s32 s1, s30  }
0xc1: {  	s0 =	sor.u32 s3, s0;
	s1 =	sshll.u32 s1, $0x11  }
0xc2: {  	s0 =	sor.u32 s1, s0  }
0xc3: {  	s0 =	sadd.s32 $0x8F2B, s0  }
0xc4: {  	[sflag:s0] =	ssyncadd.remote.s32 $0x1  }
0xc5: {  	_ =	sfence.sel $0xFFFF  }
0xc6: {  	[dreg:$0x0] =	wrdreg $0xFFFFFFFF;
	(pc) =	sbr.abs _section_cstart, $3  }
0xc7: {  	[dreg:$0x1] =	wrdreg $0xFFFFFFFF  }
0xc8: {  	_ =	task.clear_ibuf [dreg:s7], $0x2FFFF;
	_ =	strace $0x9FFFFFFF  }
0xc9: {  	(tm) =	ssettm $0x7FFFFFFF  }
tec
execute0_lowered:
.L_overlay_start_1:
0x0: {  	(tag) =	ssettag $0x1  }
0x1: {  	s4 =	rddreg [dreg:$0x0];
	s3 =	srdreg.scid  }
0x2: {  	s16 =	rddreg [dreg:$0x1];
	s11 =	sand.u32 $0x1, s3  }
0x3: {  	s3 =	stileid.u32;
	s5 =	smul.u32 $0x271000, s11  }
0x4: {  	s1 =	rddreg [dreg:$0x2];
	s7 =	smul.u32 $0x50000, s3  }
0x5: {  	s0 =	rddreg [dreg:$0x3];
	s2 =	simm.s32 $0x0;
	s8 =	smul.u32 $0x14000, s3  }
0x6: {  	[smem:$0x7FF] =	sst s2;
	s12 =	smul.u32 $0x140000, s11  }
0x7: {  	s13 =	sadd.s32 $0x2800, s4;
	s6 =	ssub.s32 $0x2, s11;
	s26 =	smul.u32 $0x27100, s3  }
0x8: {  	_ =	strace $0x8000004A;
	s21 =	smul.u32 $0x27100, s11;
	s23 =	sshrl.u32 s6, $0x1  }
0x9: {  	s22 =	smul.u32 $0x2710, s3;
	s14 =	sadd.s32 s5, s4;
	s15 =	ssub.s32 s6, s23  }
0xa: {  	s24 =	sshrl.u32 s7, $0x2;
	s9 =	sadd.s32 $0x4000, s8;
	s17 =	sadd.s32 $0x8000, s8  }
0xb: {  	s18 =	sadd.s32 $0xC000, s8;
	s10 =	sadd.s32 s8, s12;
	s19 =	sadd.s32 $0x10000, s8  }
0xc: {  	s30 =	sadd.s32 s22, s21;
	s21 =	simm.s32 $0x0;
	s4 =	sadd.s32 s24, s1  }
0xd: {  	s5 =	sadd.s32 s9, s1;
	s6 =	sadd.s32 s17, s1;
	s7 =	sadd.s32 s18, s1  }
0xe: {  	s10 =	sshrl.u32 s10, $0x3;
	s20 =	sadd.s32 s12, s9;
	s8 =	sadd.s32 s19, s1  }
0xf: {  	s17 =	sadd.s32 s12, s17;
	s18 =	sadd.s32 s12, s18;
	s19 =	sadd.s32 s12, s19  }
0x10: {  	s29 =	sadd.s32 s26, s14;
	s14 =	smax.u32 s15, $0x1;
	s31 =	sshrl.u32 s30, $0x3  }
0x11: {  	s9 =	sadd.s32 s13, s10;
	s25 =	sshrl.u32 s20, $0x3;
	s17 =	sshrl.u32 s17, $0x3  }
0x12: {  	s18 =	sshrl.u32 s18, $0x3;
	s28 =	sshrl.u32 s19, $0x3;
	s15 =	sadd.s32 $0xF53A00, s29  }
0x13: {  	s16 =	sadd.s32 s31, s16;
	s19 =	simm.s32 $0x4080;
	s20 =	simm.s32 $0x50  }
0x14: {  	s10 =	sadd.s32 s13, s25;
	s11 =	sadd.s32 s13, s17;
	s12 =	sadd.s32 s13, s18  }
0x15: {  	v0 =	vimm.f32 $0.0e+00;
	s13 =	sadd.s32 s13, s28;
	s17 =	simm.s32 $0x1;
	s18 =	simm.s32 $0x4000  }
.LBB2_1:
0x16: {  	s22 =	simm.s32 $0x0;
	s23 =	simm.s32 $0x200  }
.LBB2_2:
0x17: {  	p0 =	sne.s32 s23, $0xFE00;
	[tilespmem:s22+$0x70] =	vst v0  }
0x18: {  	[tilespmem:s22+$0x0] =	vst v0  }
0x19: {  	[tilespmem:s22+$0x10] =	vst v0  }
.Ltmp0:
0x1a: {  	[tilespmem:s22+$0x20] =	vst v0;
	(pc) =	sbr.rel @p0 .LBB2_2-.Ltmp0, $4  }
0x1b: {  	[tilespmem:s22+$0x30] =	vst v0  }
0x1c: {  	[tilespmem:s22+$0x40] =	vst v0  }
0x1d: {  	[tilespmem:s22+$0x50] =	vst v0  }
0x1e: {  	[tilespmem:s22+$0x60] =	vst v0;
	s22 =	sshra.s32 s23, $0x2;
	s23 =	sadd.s32 $0x200, s23  }
0x1f: {  	[tilespmem:s22+$0x70] =	vst v0  }
0x20: {  	[tilespmem:s22+$0x0] =	vst v0  }
0x21: {  	[tilespmem:s22+$0x10] =	vst v0  }
0x22: {  	[tilespmem:s22+$0x20] =	vst v0  }
0x23: {  	[tilespmem:s22+$0x30] =	vst v0  }
0x24: {  	[tilespmem:s22+$0x40] =	vst v0  }
0x25: {  	[tilespmem:s22+$0x50] =	vst v0  }
0x26: {  	[tilespmem:s22+$0x60] =	vst v0;
	s30 =	simm.s32 $0x0  }
0x27: {  	[spmem:s4] =	stream.linear.scatter [tilespmem:s30], [sflag:$0x1], $0x4000, $0x38;
	[tilespmem:$0x1A880] =	vst v63  }
0x28: {  	_ =	swait.ge [sflag:s17], $0x4000  }
0x29: {  	[sflag:s17] =	ssyncset.done $0x0  }
0x2a: {  	[sflag:s17] =	ssyncadd.s32 $0xFFFFC000  }
0x2b: {  	[spmem:s5] =	stream.linear.scatter [tilespmem:s30], [sflag:$0x1], $0x4000, $0x38;
	[tilespmem:$0x1A880] =	vst v63  }
0x2c: {  	_ =	swait.ge [sflag:s17], $0x4000  }
0x2d: {  	[sflag:s17] =	ssyncset.done $0x0  }
0x2e: {  	[sflag:s17] =	ssyncadd.s32 $0xFFFFC000  }
0x2f: {  	[spmem:s6] =	stream.linear.scatter [tilespmem:s30], [sflag:$0x1], $0x4000, $0x38;
	[tilespmem:$0x1A880] =	vst v63  }
0x30: {  	_ =	swait.ge [sflag:s17], $0x4000  }
0x31: {  	[sflag:s17] =	ssyncset.done $0x0  }
0x32: {  	[sflag:s17] =	ssyncadd.s32 $0xFFFFC000  }
0x33: {  	[spmem:s7] =	stream.linear.scatter [tilespmem:s30], [sflag:$0x1], $0x4000, $0x38;
	[tilespmem:$0x1A880] =	vst v63  }
0x34: {  	_ =	swait.ge [sflag:s17], $0x4000  }
0x35: {  	[sflag:s17] =	ssyncset.done $0x0  }
0x36: {  	[sflag:s17] =	ssyncadd.s32 $0xFFFFC000  }
0x37: {  	[spmem:s8] =	stream.linear.scatter [tilespmem:s30], [sflag:$0x1], $0x4000, $0x38;
	[tilespmem:$0x1A880] =	vst v63  }
0x38: {  	_ =	swait.ge [sflag:s17], $0x4000  }
0x39: {  	[sflag:s17] =	ssyncset.done $0x0  }
0x3a: {  	[sflag:s17] =	ssyncadd.s32 $0xFFFFC000  }
0x3b: {  	s31 =	sadd.s32 $0x0, s16;
	[bflag:$0x0] =	sbarrier.arrive $0xFFFF  }
0x3c: {  	[tilespmem:s18], [sflag:$0x1] =	stream.linear.gather [hbm4b:s31+s2], $0x50, $0x38;
	[tilespmem:$0x1A880] =	vst v63  }
0x3d: {  	_ =	swait.ge [sflag:s17], $0x50  }
0x3e: {  	[sflag:s17] =	ssyncset.done $0x0  }
0x3f: {  	[sflag:s17] =	ssyncadd.s32 $0xFFFFFFB0  }
0x40: {  	[tilespmem:s19], [sflag:$0x1] =	stream.linear.gather [hbm4b:s15+s2], $0x2800, $0x38;
	[tilespmem:$0x1A880] =	vst v63  }
0x41: {  	_ =	swait.ge [sflag:s17], $0x2800  }
0x42: {  	[sflag:s17] =	ssyncset.done $0x0  }
0x43: {  	[sflag:s17] =	ssyncadd.s32 $0xFFFFD800  }
0x44: {  	[spmem:s1] =	stream.indirect.scatter.add.f32 [tilespmem:s19], [sflag:$0x1], $0x80, s18, s20, $0xb8;
	[tilespmem:$0x1A880] =	vst v63  }
0x45: {  	s23 =	simm.s32 $0xA;
	_ =	swait.ge [sflag:s17], $0x2800  }
0x46: {  	s24 =	simm.s32 $0x14;
	s22 =	sadd.s32 $0x500, s15;
	[sflag:s17] =	ssyncset.done $0x0  }
.LBB2_4:
0x47: {  	s25 =	sadd.s32 s23, s16  }
0x48: {  	[sflag:s17] =	ssyncadd.s32 $0xFFFFD800;
	s23 =	smov.u32 s24;
	s26 =	sadd.s32 $0xA, s24  }
0x49: {  	[tilespmem:s18], [sflag:$0x1] =	stream.linear.gather [hbm4b:s25+s2], $0x50, $0x38;
	[tilespmem:$0x1A880] =	vst v63  }
0x4a: {  	p0 =	sne.s32 s24, $0x4D8;
	_ =	swait.ge [sflag:s17], $0x50  }
0x4b: {  	[sflag:s17] =	ssyncset.done $0x0  }
0x4c: {  	[sflag:s17] =	ssyncadd.s32 $0xFFFFFFB0  }
0x4d: {  	[tilespmem:s19], [sflag:$0x1] =	stream.linear.gather [hbm4b:s22+s2], $0x2800, $0x38;
	[tilespmem:$0x1A880] =	vst v63  }
0x4e: {  	_ =	swait.ge [sflag:s17], $0x2800  }
.Ltmp1:
0x4f: {  	[sflag:s17] =	ssyncset.done $0x0;
	(pc) =	sbr.rel @p0 .LBB2_4-.Ltmp1, $4  }
0x50: {  	[sflag:s17] =	ssyncadd.s32 $0xFFFFD800  }
0x51: {  	[spmem:s1] =	stream.indirect.scatter.add.f32 [tilespmem:s19], [sflag:$0x1], $0x80, s18, s20, $0xb8;
	[tilespmem:$0x1A880] =	vst v63  }
0x52: {  	_ =	swait.ge [sflag:s17], $0x2800  }
0x53: {  	s24 =	smov.u32 s26;
	s22 =	sadd.s32 $0x500, s22;
	[sflag:s17] =	ssyncset.done $0x0  }
0x54: {  	s23 =	sadd.s32 s23, s16;
	[sflag:s17] =	ssyncadd.s32 $0xFFFFD800  }
0x55: {  	[tilespmem:s18], [sflag:$0x1] =	stream.linear.gather [hbm4b:s23+s2], $0x50, $0x38;
	[tilespmem:$0x1A880] =	vst v63  }
0x56: {  	_ =	swait.ge [sflag:s17], $0x50  }
0x57: {  	[sflag:s17] =	ssyncset.done $0x0  }
0x58: {  	[sflag:s17] =	ssyncadd.s32 $0xFFFFFFB0  }
0x59: {  	[tilespmem:s19], [sflag:$0x1] =	stream.linear.gather [hbm4b:s22+s2], $0x2800, $0x38;
	[tilespmem:$0x1A880] =	vst v63  }
0x5a: {  	_ =	swait.ge [sflag:s17], $0x2800  }
0x5b: {  	[sflag:s17] =	ssyncset.done $0x0  }
0x5c: {  	[sflag:s17] =	ssyncadd.s32 $0xFFFFD800  }
0x5d: {  	[spmem:s1] =	stream.indirect.scatter.add.f32 [tilespmem:s19], [sflag:$0x1], $0x80, s18, s20, $0xb8;
	[tilespmem:$0x1A880] =	vst v63  }
0x5e: {  	_ =	swait.ge [sflag:s17], $0x2800  }
0x5f: {  	[sflag:s17] =	ssyncset.done $0x0  }
0x60: {  	s25 =	sshll.u32 s3, $0x6;
	[sflag:s17] =	ssyncadd.s32 $0xFFFFD800  }
0x61: {  	s26 =	sshrl.u32 s4, $0x3;
	s22 =	sor.u32 $0x1C01, s25;
	[bflag:$0x0] =	sbarrier.arrive $0xFFFF  }
0x62: {  	[hbm:s9], [sflag:s22] =	dma.local [spmem:s26], $0x800  }
0x63: {  	_ =	swait.ge [sflag:s17], $0x800  }
0x64: {  	[sflag:s17] =	ssyncset.done $0x0  }
0x65: {  	s28 =	sshrl.u32 s5, $0x3;
	[sflag:s17] =	ssyncadd.s32 $0xFFFFF800  }
0x66: {  	[hbm:s10], [sflag:s22] =	dma.local [spmem:s28], $0x800  }
0x67: {  	_ =	swait.ge [sflag:s17], $0x800  }
0x68: {  	[sflag:s17] =	ssyncset.done $0x0  }
0x69: {  	s29 =	sshrl.u32 s6, $0x3;
	[sflag:s17] =	ssyncadd.s32 $0xFFFFF800  }
0x6a: {  	[hbm:s11], [sflag:s22] =	dma.local [spmem:s29], $0x800  }
0x6b: {  	_ =	swait.ge [sflag:s17], $0x800  }
0x6c: {  	[sflag:s17] =	ssyncset.done $0x0  }
0x6d: {  	s30 =	sshrl.u32 s7, $0x3;
	[sflag:s17] =	ssyncadd.s32 $0xFFFFF800  }
0x6e: {  	[hbm:s12], [sflag:s22] =	dma.local [spmem:s30], $0x800  }
0x6f: {  	s21 =	sadd.s32 $0x1, s21;
	_ =	swait.ge [sflag:s17], $0x800  }
0x70: {  	p0 =	sne.s32 s21, s14;
	[sflag:s17] =	ssyncset.done $0x0  }
.Ltmp2:
0x71: {  	s31 =	sshrl.u32 s8, $0x3;
	[sflag:s17] =	ssyncadd.s32 $0xFFFFF800;
	(pc) =	sbr.rel @p0 .LBB2_1-.Ltmp2, $4  }
0x72: {  	[hbm:s13], [sflag:s22] =	dma.local [spmem:s31], $0x800  }
0x73: {  	_ =	swait.ge [sflag:s17], $0x800  }
0x74: {  	[sflag:s17] =	ssyncset.done $0x0  }
0x75: {  	[sflag:s17] =	ssyncadd.s32 $0xFFFFF800  }
0x76: {  	_ =	sfence.sel $0x180000  }
0x77: {  	[bflag:$0x0] =	sbarrier.arrive $0xFFFF  }
0x78: {  	p0 =	sne.s32 s3, $0x0;
	_ =	strace $0x9000004A  }
0x79: {  	s0 =	sadd.s32 @!p0 $0x100000, s0;
	[bflag:$0x2] =	sbarrier.arrive $0xFFFF  }
0x7a: {  	[sflag:s0] =	ssyncadd.tile.s32 @!p0 $0x1;
	_ =	shalt  }
.Lfunc_end2:
_tile_overlayer_lowered:
.L_overlay_start_2:
0x7b: {  	(tag) =	ssettag $0x2  }
0x7c: {  	s0 =	rddreg [dreg:$0x0];
	s2 =	stileid.u32  }
0x7d: {  	s1 =	rddreg [dreg:$0x1];
	p0 =	sne.s32 s2, $0x0  }
0x7e: {  	s3 =	rddreg [dreg:$0x2];
	[bflag:$0x3] =	sbarrier.arrive $0xFFFF;
	s2 =	simm.s32 @!p0 $0x1C01  }
0x7f: {  	[timem:s3], [sflag:s2] =	dma.local @!p0 [hbm:s0], s1  }
0x80: {  	s0 =	simm.s32 @!p0 $0x1  }
0x81: {  	_ =	swait.ge @!p0 [sflag:s0], s1  }
0x82: {  	s1 =	ssub.s32 @!p0 $0x0, s1;
	[sflag:s0] =	ssyncset.done @!p0 $0x0  }
0x83: {  	[sflag:s0] =	ssyncadd.s32 @!p0 s1  }
0x84: {  	[bflag:$0x3] =	sbarrier.arrive $0xFFFF  }
0x85: {  	_ =	shalt  }

// kernel: kernel.7.cloned.1.call-start
scs
__scs_entry_jumppad:
0x0: {  	(pc) =	sbr.rel $0x88, $3  }
0x1: {  	(tag) =	ssettag $0x0;
	lr =	simm.s32 $0x1  }
0x2: {  	[smem:$0x3F91] =	sst lr;
	_ =	strace $0xD0000000  }
0x3: {  	_ = 	snop  }
0x4: {  	_ = 	snop  }
0x5: {  	_ = 	snop  }
0x6: {  	_ = 	snop  }
0x7: {  	_ = 	snop  }
__scs_overlays_trampoline_lowered:
0x8: {  	[smem:$0x3FA0] =	sst s0  }
0x9: {  	[smem:$0x3FA1] =	sst s1  }
0xa: {  	[smem:$0x3FA2] =	sst s2  }
0xb: {  	[smem:$0x3FA3] =	sst s3  }
0xc: {  	[smem:$0x3FA4] =	sst s4  }
0xd: {  	[smem:$0x3FA5] =	sst s5  }
0xe: {  	[smem:$0x3FA6] =	sst s6  }
0xf: {  	[smem:$0x3FA7] =	sst s7  }
0x10: {  	[smem:$0x3FA8] =	sst s8  }
0x11: {  	[smem:$0x3FA9] =	sst s9;
	s0 =	simm.s32 @!p0 $0x0  }
0x12: {  	s1 =	sld [smem:$0x3F8F];
	s0 =	simm.s32 @p0 $0x1  }
0x13: {  	[smem:$0x3FAA] =	sst s0;
	s0 =	simm.s32 @!p1 $0x0  }
0x14: {  	s2 =	sld [smem:$0x3F8E];
	s0 =	simm.s32 @p1 $0x1  }
0x15: {  	[smem:$0x3FAB] =	sst s0;
	s0 =	simm.s32 @!p2 $0x0  }
0x16: {  	s3 =	sld [smem:$0x3FDB];
	s0 =	simm.s32 @p2 $0x1  }
0x17: {  	s4 =	simm.s32 $0x1BF5;
	[smem:$0x3FAD] =	sst s0  }
0x18: {  	s0 =	sld [smem:$0x3F90];
	_ =	swait.ge [sflag:s4], $0x0  }
0x19: {  	s7 =	sld [smem:$0x3F91]  }
0x1a: {  	s8 =	sadd.s32 $0xFFFFE003, lr  }
0x1b: {  	s9 =	sadd.s32 $0xFFFFFEF7, lr;
	s5 =	simm.s32 $0xFFFFFFFF;
	p2 =	slt.u32 s8, $0xFFFFF086  }
0x1c: {  	p1 =	slt.u32 s9, $0xF7A;
	s5 =	simm.s32 @!p2 $0x0  }
0x1d: {  	s5 =	simm.s32 @p1 $0x1;
	p0 =	seq.s32 s7, s2  }
0x1e: {  	s7 =	smul.u32 @!p0 $0xF7A, s2;
	p2 =	seq.s32 @!p0 s5, $0x0  }
0x1f: {  	s9 =	smul.u32 $0xF7A, s1;
	s8 =	simm.s32 @!p0 $0x1BF5;
	p2 =	por !p2, p0  }
0x20: {  	[sflag:s8] =	ssyncset.s32 @!p0 $0xFFFFF086;
	s6 =	sadd.s32 @!p0 s3, s7;
	s7 =	simm.s32 @!p0 $0x108  }
0x21: {  	s3 =	sadd.s32 s3, s9;
	s6 =	sadd.s32 @!p0 $0x88, s6;
	s7 =	simm.s32 @p2 $0x1082  }
0x22: {  	[simem:s7], [sflag:s8] =	dma.local @!p0 [hbm:s6], $0xF7A  }
0x23: {  	s9 =	sor.u32 $0xD0000000, s2;
	s6 =	simm.s32 $0x108;
	_ =	swait.ge @!p0 [sflag:s8], $0x0  }
0x24: {  	s3 =	sadd.s32 $0x88, s3;
	s6 =	simm.s32 @!p1 $0x1082;
	[sflag:s4] =	ssyncset.s32 $0xFFFFF086  }
0x25: {  	[simem:s6], [sflag:s4] =	dma.local [hbm:s3], $0xF7A  }
0x26: {  	[smem:$0x3F91] =	sst s1;
	(tag) =	ssettag s2;
	_ =	strace s9  }
0x27: {  	s1 =	sld [smem:$0x3FA1]  }
0x28: {  	s2 =	sld [smem:$0x3FA2]  }
0x29: {  	s4 =	sld [smem:$0x3FA4]  }
0x2a: {  	p0 =	seq.s32 s5, $0x0;
	s5 =	sld [smem:$0x3FA5]  }
0x2b: {  	s6 =	sld [smem:$0x3FA6]  }
0x2c: {  	s7 =	sld [smem:$0x3FA7]  }
0x2d: {  	s3 =	simm.s32 $0x108;
	s8 =	sld [smem:$0x3FA8]  }
0x2e: {  	s3 =	simm.s32 @!p0 $0x1082;
	s9 =	sld [smem:$0x3FA9]  }
0x2f: {  	lr =	sadd.s32 s0, s3;
	s0 =	sld [smem:$0x3FA0]  }
0x30: {  	s3 =	sld [smem:$0x3FA3]  }
0x31: {  	[smem:$0x3FAC] =	sst s10  }
0x32: {  	s10 =	sld [smem:$0x3FAA];
	_ =	sdelay $0x3  }
0x33: {  	p0 =	seq.s32 s10, $0x1;
	s10 =	sld [smem:$0x3FAC];
	_ =	sdelay $0x3  }
0x34: {  	[smem:$0x3FAC] =	sst s10  }
0x35: {  	s10 =	sld [smem:$0x3FAB];
	_ =	sdelay $0x3  }
0x36: {  	p1 =	seq.s32 s10, $0x1;
	s10 =	sld [smem:$0x3FAC];
	_ =	sdelay $0x3  }
0x37: {  	[smem:$0x3FAC] =	sst s10  }
0x38: {  	s10 =	sld [smem:$0x3FAD]  }
0x39: {  	_ = 	snop;
	(pc) =	sbr.ind lr, $3  }
0x3a: {  	_ = 	snop  }
0x3b: {  	_ = 	snop  }
0x3c: {  	p2 =	seq.s32 s10, $0x1;
	s10 =	sld [smem:$0x3FAC]  }
0x3d: {  	_ =	shalt  }
0x3e: {  	_ =	shalt  }
0x3f: {  	_ =	shalt  }
0x40: {  	_ =	shalt  }
0x41: {  	_ =	shalt  }
0x42: {  	_ =	shalt  }
0x43: {  	_ =	shalt  }
0x44: {  	_ =	shalt  }
0x45: {  	_ =	shalt  }
0x46: {  	_ =	shalt  }
0x47: {  	_ =	shalt  }
0x48: {  	_ =	shalt  }
0x49: {  	_ =	shalt  }
0x4a: {  	_ =	shalt  }
0x4b: {  	_ =	shalt  }
0x4c: {  	_ =	shalt  }
0x4d: {  	_ =	shalt  }
0x4e: {  	_ =	shalt  }
0x4f: {  	_ =	shalt  }
0x50: {  	_ =	shalt  }
0x51: {  	_ =	shalt  }
0x52: {  	_ =	shalt  }
0x53: {  	_ =	shalt  }
0x54: {  	_ =	shalt  }
0x55: {  	_ =	shalt  }
0x56: {  	_ =	shalt  }
0x57: {  	_ =	shalt  }
0x58: {  	_ =	shalt  }
0x59: {  	_ =	shalt  }
0x5a: {  	_ =	shalt  }
0x5b: {  	_ =	shalt  }
0x5c: {  	_ =	shalt  }
0x5d: {  	_ =	shalt  }
0x5e: {  	_ =	shalt  }
0x5f: {  	_ =	shalt  }
0x60: {  	_ =	shalt  }
0x61: {  	_ =	shalt  }
0x62: {  	_ =	shalt  }
0x63: {  	_ =	shalt  }
0x64: {  	_ =	shalt  }
0x65: {  	_ =	shalt  }
0x66: {  	_ =	shalt  }
0x67: {  	_ =	shalt  }
0x68: {  	_ =	shalt  }
0x69: {  	_ =	shalt  }
0x6a: {  	_ =	shalt  }
0x6b: {  	_ =	shalt  }
0x6c: {  	_ =	shalt  }
0x6d: {  	_ =	shalt  }
0x6e: {  	_ =	shalt  }
0x6f: {  	_ =	shalt  }
0x70: {  	_ =	shalt  }
0x71: {  	_ =	shalt  }
0x72: {  	_ =	shalt  }
0x73: {  	_ =	shalt  }
0x74: {  	_ =	shalt  }
0x75: {  	_ =	shalt  }
0x76: {  	_ =	shalt  }
0x77: {  	_ =	shalt  }
0x78: {  	_ =	shalt  }
0x79: {  	_ =	shalt  }
0x7a: {  	_ =	shalt  }
0x7b: {  	_ =	shalt  }
0x7c: {  	_ =	shalt  }
0x7d: {  	_ =	shalt  }
0x7e: {  	_ =	shalt  }
0x7f: {  	_ =	shalt  }
0x80: {  	_ =	shalt  }
0x81: {  	_ =	shalt  }
0x82: {  	_ =	shalt  }
0x83: {  	_ =	shalt  }
0x84: {  	_ =	shalt  }
0x85: {  	_ =	shalt  }
0x86: {  	_ =	shalt  }
0x87: {  	_ =	shalt  }
.Lfunc_end0:
.L_simem_size_0:
called_computation_lowered:
.L_overlay_start_0:
0x88: {  	s2 =	sld [smem:$0x3FD9]  }
0x89: {  	s3 =	sld [smem:$0x3FFE];
	_ =	sdelay $0x1  }
0x8a: {  	s1 =	srdreg.scid  }
0x8b: {  	s0 =	sand.u32 $0x1, s1  }
0x8c: {  	s14 =	sshll.u32 s0, $0xA;
	s2 =	sadd.s32 s3, s2  }
0x8d: {  	s2 =	sadd.s32 s2, s14  }
0x8e: {  	[smem:$0x3FB8] =	sst s2  }
0x8f: {  	_ = 	snop  }
0x90: {  	s2 =	sld [smem:$0x3FD0];
	_ =	sdelay $0x2  }
0x91: {  	s4 =	simm.s32 $0xA;
	s5 =	simm.s32 $0x10;
	s15 =	sld [smem:$0x3FC9]  }
0x92: {  	[smem:s5], [sflag:s4] =	dma.local [hbm:s2], $0x1  }
0x93: {  	_ =	swait.eq [sflag:s4], $0x1  }
0x94: {  	[sflag:s4] =	ssyncset.done $0x0  }
0x95: {  	[sflag:s4] =	ssyncadd.s32 $0xFFFFFFFF  }
0x96: {  	s16 =	sld [smem:$0x10];
	(tm) =	ssettm $0x1  }
0x97: {  	s17 =	sld [smem:$0x3FFB];
	_ =	sdelay $0x3  }
0x98: {  	_ =	strace s17  }
0x99: {  	s4 =	sld [smem:$0x3FFC];
	_ =	sdelay $0x3  }
0x9a: {  	_ =	strace s4  }
0x9b: {  	s4 =	sld [smem:$0x3FFD];
	_ =	sdelay $0x3  }
0x9c: {  	_ =	strace s4  }
0x9d: {  	_ =	strace $0x8FFFFFFF  }
0x9e: {  	s18 =	sld [smem:$0x3FDB];
	_ =	sdelay $0x1  }
0x9f: {  	s19 =	simm.s32 $_scs_section_size  }
0xa0: {  	s6 =	simm.s32 $_size__tile_overlayer_lowered;
	s7 =	simm.s32 $_tile_overlayer_lowered  }
0xa1: {  	s22 =	simm.s32 $0x1BFF;
	s21 =	sshll.u32 s7, $0x1;
	s4 =	sadd.s32 s19, s18  }
0xa2: {  	s8 =	simm.s32 $0x0;
	s20 =	sshll.u32 s6, $0x1;
	s6 =	sadd.s32 s21, s4  }
0xa3: {  	[timem:s8], [sflag:s22] =	dma.local [hbm:s6], s20  }
0xa4: {  	_ =	swait.ge [sflag:s22], s20  }
0xa5: {  	s5 =	ssub.s32 $0x0, s20;
	[sflag:s22] =	ssyncset.done $0x0  }
0xa6: {  	[sflag:s22] =	ssyncadd.s32 s5;
	_ =	sdelay $0x1  }
0xa7: {  	s23 =	simm.s32 $0x1B8B  }
0xa8: {  	_ =	swait.ge [sflag:s23], $0x1  }
0xa9: {  	[sflag:s23] =	ssyncset.done $0x0  }
0xaa: {  	s25 =	simm.s32 $0x1B8E;
	s24 =	sld [smem:$0x3FFE];
	[sflag:s23] =	ssyncadd.s32 $0xFFFFFFFF  }
0xab: {  	s26 =	simm.s32 $execute0_lowered;
	[smem:$0x3FD2] =	sst s25  }
0xac: {  	s6 =	sshll.u32 s26, $0x1;
	_ =	strace $0x80000046;
	[dreg:$0x1] =	wrdreg $0xFFFFFFFF  }
0xad: {  	s28 =	simm.s32 $_size_execute0_lowered;
	s4 =	sadd.s32 s4, s6;
	[dreg:$0x0] =	wrdreg $0x0  }
0xae: {  	s6 =	sshll.u32 s28, $0x1;
	[dreg:$0x2] =	wrdreg s4  }
0xaf: {  	[dreg:$0x3] =	wrdreg s6  }
0xb0: {  	[dreg:$0x4] =	wrdreg $0xC0  }
0xb1: {  	_ =	task [dreg:s8], $0x5FFFF  }
0xb2: {  	[dreg:$0x1] =	wrdreg $0xFFFFFFFF  }
0xb3: {  	[dreg:$0x0] =	wrdreg $0x60  }
0xb4: {  	[dreg:$0x2] =	wrdreg s15  }
0xb5: {  	[dreg:$0x3] =	wrdreg s24  }
0xb6: {  	[dreg:$0x4] =	wrdreg s16  }
0xb7: {  	[dreg:$0x5] =	wrdreg $0x9  }
0xb8: {  	_ =	task.clear_ibuf [dreg:s8], $0x6FFFF;
	_ =	strace $0x90000046  }
0xb9: {  	s29 =	simm.s32 $0x9;
	_ =	strace $0x80000048  }
0xba: {  	_ =	swait.ge [sflag:s29], $0x1  }
0xbb: {  	[sflag:s29] =	ssyncadd.s32 $0xFFFFFFFF  }
0xbc: {  	_ =	strace $0x90000048  }
0xbd: {  	_ =	sfence  }
0xbe: {  	s30 =	sld [smem:$0x0];
	_ =	sdelay $0x2  }
0xbf: {  	s31 =	sshll.u32 s1, $0xD;
	s1 =	sshrl.u32 s1, $0x2  }
0xc0: {  	s3 =	sand.u32 $0x4000, s31;
	s1 =	sadd.s32 s1, s30  }
0xc1: {  	s0 =	sor.u32 s3, s0;
	s1 =	sshll.u32 s1, $0x11  }
0xc2: {  	s0 =	sor.u32 s1, s0  }
0xc3: {  	s0 =	sadd.s32 $0x8F2B, s0  }
0xc4: {  	[sflag:s0] =	ssyncadd.remote.s32 $0x1  }
0xc5: {  	_ =	sfence.sel $0xFFFF  }
0xc6: {  	[dreg:$0x0] =	wrdreg $0xFFFFFFFF;
	(pc) =	sbr.abs _section_cstart, $3  }
0xc7: {  	[dreg:$0x1] =	wrdreg $0xFFFFFFFF  }
0xc8: {  	_ =	task.clear_ibuf [dreg:s8], $0x2FFFF;
	_ =	strace $0x9FFFFFFF  }
0xc9: {  	(tm) =	ssettm $0x7FFFFFFF  }
tec
execute0_lowered:
.L_overlay_start_1:
0x0: {  	(tag) =	ssettag $0x1  }
0x1: {  	s2 =	stileid.u32  }
0x2: {  	s0 =	rddreg [dreg:$0x0];
	s7 =	smul.u32 $0x2710, s2  }
0x3: {  	s1 =	srdreg.scid;
	s12 =	smul.u32 $0x4E20, s2  }
0x4: {  	s5 =	rddreg [dreg:$0x1];
	s6 =	sand.u32 $0x1, s1;
	s14 =	smul.u32 $0x27100, s2  }
0x5: {  	s8 =	rddreg [dreg:$0x2];
	s3 =	simm.s32 $0x0;
	s4 =	smul.u32 $0x27100, s6  }
0x6: {  	s15 =	simm.s32 $0x0;
	s1 =	rddreg [dreg:$0x3];
	s9 =	smul.u32 $0x271000, s6  }
0x7: {  	[smem:$0x7FF] =	sst s3;
	s28 =	smul.u32 $0x4E200, s6;
	s6 =	ssub.s32 $0x2, s6  }
0x8: {  	_ =	strace $0x80000047;
	s13 =	sshrl.u32 s6, $0x1;
	s7 =	sadd.s32 s7, s4  }
0x9: {  	s4 =	sadd.s32 $0xC600, s5;
	s9 =	sadd.s32 s9, s5;
	s29 =	ssub.s32 s6, s13  }
0xa: {  	s13 =	simm.s32 $0x1;
	s10 =	sshrl.u32 s7, $0x3;
	s7 =	sadd.s32 s28, s5  }
0xb: {  	s31 =	sadd.s32 s14, s9;
	s14 =	simm.s32 $0x28A0;
	s11 =	sadd.s32 s10, s5  }
0xc: {  	s30 =	sadd.s32 s12, s7;
	s5 =	smax.u32 s29, $0x1;
	s7 =	sadd.s32 $0xADA00, s31  }
0xd: {  	s8 =	sadd.s32 s10, s8;
	s10 =	simm.s32 $0x2;
	s12 =	simm.s32 $0xA0  }
0xe: {  	s6 =	sadd.s32 $0x11600, s30;
	s9 =	sadd.s32 $0x2800, s11;
	s11 =	simm.s32 $0x50  }
.LBB2_1:
0xf: {  	s16 =	sadd.s32 $0x0, s9  }
0x10: {  	[tilespmem:s3], [sflag:$0x2] =	stream.linear.gather [hbm4b:s16+s3], $0x50, $0x38;
	[tilespmem:$0x2DA0] =	vst v63  }
0x11: {  	_ =	swait.ge [sflag:s10], $0x50  }
0x12: {  	[sflag:s10] =	ssyncset.done $0x0  }
0x13: {  	[sflag:s10] =	ssyncadd.s32 $0xFFFFFFB0  }
0x14: {  	[tilespmem:s12], [sflag:$0x1] =	stream.indirect.gather [hbm4b:s0+s11], $0x80, s3, s11, $0xb8;
	[tilespmem:$0x2DA0] =	vst v63  }
0x15: {  	_ =	swait.ge [sflag:s13], $0x2800  }
0x16: {  	[sflag:s13] =	ssyncset.done $0x0  }
0x17: {  	[sflag:s13] =	ssyncadd.s32 $0xFFFFD800  }
0x18: {  	[hbm4b:s7+s3] =	stream.linear.scatter [tilespmem:s12], [sflag:$0x2], $0x2800, $0x38;
	[tilespmem:$0x2DA0] =	vst v63  }
0x19: {  	_ =	swait.ge [sflag:s10], $0x2800  }
0x1a: {  	[sflag:s10] =	ssyncset.done $0x0  }
0x1b: {  	s31 =	sadd.s32 $0x0, s8;
	[sflag:s10] =	ssyncadd.s32 $0xFFFFD800  }
0x1c: {  	[tilespmem:s11], [sflag:$0x2] =	stream.linear.gather [hbm4b:s31+s3], $0x50, $0x38;
	[tilespmem:$0x2DA0] =	vst v63  }
0x1d: {  	_ =	swait.ge [sflag:s10], $0x50  }
0x1e: {  	[sflag:s10] =	ssyncset.done $0x0  }
0x1f: {  	[sflag:s10] =	ssyncadd.s32 $0xFFFFFFB0  }
0x20: {  	[tilespmem:s14], [sflag:$0x1] =	stream.indirect.gather [hbm4b:s4+s11], $0x10, s11, s11, $0xb8;
	[tilespmem:$0x2DA0] =	vst v63  }
0x21: {  	_ =	swait.ge [sflag:s13], $0x500  }
0x22: {  	[sflag:s13] =	ssyncset.done $0x0  }
0x23: {  	[sflag:s13] =	ssyncadd.s32 $0xFFFFFB00  }
0x24: {  	[hbm4b:s6+s3] =	stream.linear.scatter [tilespmem:s14], [sflag:$0x2], $0x500, $0x38;
	[tilespmem:$0x2DA0] =	vst v63  }
0x25: {  	s17 =	simm.s32 $0xA;
	s19 =	simm.s32 $0x14;
	_ =	swait.ge [sflag:s10], $0x500  }
0x26: {  	s18 =	sadd.s32 $0x500, s7;
	s16 =	sadd.s32 $0xA0, s6;
	[sflag:s10] =	ssyncset.done $0x0  }
.LBB2_2:
0x27: {  	s20 =	sadd.s32 s17, s9  }
0x28: {  	[sflag:s10] =	ssyncadd.s32 $0xFFFFFB00;
	s21 =	smov.u32 s19;
	s22 =	sadd.s32 $0xA, s19  }
0x29: {  	[tilespmem:s3], [sflag:$0x2] =	stream.linear.gather [hbm4b:s20+s3], $0x50, $0x38;
	[tilespmem:$0x2DA0] =	vst v63  }
0x2a: {  	p0 =	sne.s32 s19, $0x4D8;
	_ =	swait.ge [sflag:s10], $0x50  }
0x2b: {  	[sflag:s10] =	ssyncset.done $0x0  }
0x2c: {  	[sflag:s10] =	ssyncadd.s32 $0xFFFFFFB0  }
0x2d: {  	[tilespmem:s12], [sflag:$0x1] =	stream.indirect.gather [hbm4b:s0+s11], $0x80, s3, s11, $0xb8;
	[tilespmem:$0x2DA0] =	vst v63  }
0x2e: {  	_ =	swait.ge [sflag:s13], $0x2800  }
0x2f: {  	[sflag:s13] =	ssyncset.done $0x0  }
0x30: {  	[sflag:s13] =	ssyncadd.s32 $0xFFFFD800  }
0x31: {  	[hbm4b:s18+s3] =	stream.linear.scatter [tilespmem:s12], [sflag:$0x2], $0x2800, $0x38;
	[tilespmem:$0x2DA0] =	vst v63  }
0x32: {  	_ =	swait.ge [sflag:s10], $0x2800  }
0x33: {  	[sflag:s10] =	ssyncset.done $0x0  }
0x34: {  	s19 =	sadd.s32 s17, s8;
	s17 =	smov.u32 s21;
	[sflag:s10] =	ssyncadd.s32 $0xFFFFD800  }
0x35: {  	[tilespmem:s11], [sflag:$0x2] =	stream.linear.gather [hbm4b:s19+s3], $0x50, $0x38;
	[tilespmem:$0x2DA0] =	vst v63  }
0x36: {  	_ =	swait.ge [sflag:s10], $0x50  }
0x37: {  	[sflag:s10] =	ssyncset.done $0x0  }
0x38: {  	[sflag:s10] =	ssyncadd.s32 $0xFFFFFFB0  }
0x39: {  	[tilespmem:s14], [sflag:$0x1] =	stream.indirect.gather [hbm4b:s4+s11], $0x10, s11, s11, $0xb8;
	[tilespmem:$0x2DA0] =	vst v63  }
0x3a: {  	_ =	swait.ge [sflag:s13], $0x500  }
.Ltmp0:
0x3b: {  	[sflag:s13] =	ssyncset.done $0x0;
	(pc) =	sbr.rel @p0 .LBB2_2-.Ltmp0, $4  }
0x3c: {  	[sflag:s13] =	ssyncadd.s32 $0xFFFFFB00  }
0x3d: {  	[hbm4b:s16+s3] =	stream.linear.scatter [tilespmem:s14], [sflag:$0x2], $0x500, $0x38;
	[tilespmem:$0x2DA0] =	vst v63  }
0x3e: {  	s18 =	sadd.s32 $0x500, s18;
	_ =	swait.ge [sflag:s10], $0x500  }
0x3f: {  	s19 =	smov.u32 s22;
	s16 =	sadd.s32 $0xA0, s16;
	[sflag:s10] =	ssyncset.done $0x0  }
0x40: {  	s19 =	sadd.s32 s17, s9;
	[sflag:s10] =	ssyncadd.s32 $0xFFFFFB00  }
0x41: {  	[tilespmem:s3], [sflag:$0x2] =	stream.linear.gather [hbm4b:s19+s3], $0x50, $0x38;
	[tilespmem:$0x2DA0] =	vst v63  }
0x42: {  	_ =	swait.ge [sflag:s10], $0x50  }
0x43: {  	[sflag:s10] =	ssyncset.done $0x0  }
0x44: {  	[sflag:s10] =	ssyncadd.s32 $0xFFFFFFB0  }
0x45: {  	[tilespmem:s12], [sflag:$0x1] =	stream.indirect.gather [hbm4b:s0+s11], $0x80, s3, s11, $0xb8;
	[tilespmem:$0x2DA0] =	vst v63  }
0x46: {  	_ =	swait.ge [sflag:s13], $0x2800  }
0x47: {  	[sflag:s13] =	ssyncset.done $0x0  }
0x48: {  	[sflag:s13] =	ssyncadd.s32 $0xFFFFD800  }
0x49: {  	[hbm4b:s18+s3] =	stream.linear.scatter [tilespmem:s12], [sflag:$0x2], $0x2800, $0x38;
	[tilespmem:$0x2DA0] =	vst v63  }
0x4a: {  	_ =	swait.ge [sflag:s10], $0x2800  }
0x4b: {  	[sflag:s10] =	ssyncset.done $0x0  }
0x4c: {  	s31 =	sadd.s32 s17, s8;
	[sflag:s10] =	ssyncadd.s32 $0xFFFFD800  }
0x4d: {  	[tilespmem:s11], [sflag:$0x2] =	stream.linear.gather [hbm4b:s31+s3], $0x50, $0x38;
	[tilespmem:$0x2DA0] =	vst v63  }
0x4e: {  	_ =	swait.ge [sflag:s10], $0x50  }
0x4f: {  	[sflag:s10] =	ssyncset.done $0x0  }
0x50: {  	[sflag:s10] =	ssyncadd.s32 $0xFFFFFFB0  }
0x51: {  	[tilespmem:s14], [sflag:$0x1] =	stream.indirect.gather [hbm4b:s4+s11], $0x10, s11, s11, $0xb8;
	[tilespmem:$0x2DA0] =	vst v63  }
0x52: {  	s15 =	sadd.s32 $0x1, s15;
	_ =	swait.ge [sflag:s13], $0x500  }
0x53: {  	p0 =	sne.s32 s15, s5;
	[sflag:s13] =	ssyncset.done $0x0  }
.Ltmp1:
0x54: {  	[sflag:s13] =	ssyncadd.s32 $0xFFFFFB00;
	(pc) =	sbr.rel @p0 .LBB2_1-.Ltmp1, $4  }
0x55: {  	[hbm4b:s16+s3] =	stream.linear.scatter [tilespmem:s14], [sflag:$0x2], $0x500, $0x38;
	[tilespmem:$0x2DA0] =	vst v63  }
0x56: {  	_ =	swait.ge [sflag:s10], $0x500  }
0x57: {  	[sflag:s10] =	ssyncset.done $0x0  }
0x58: {  	[sflag:s10] =	ssyncadd.s32 $0xFFFFFB00  }
0x59: {  	_ =	sfence.sel $0x180000  }
0x5a: {  	[bflag:$0x0] =	sbarrier.arrive $0xFFFF  }
0x5b: {  	p0 =	sne.s32 s2, $0x0;
	_ =	strace $0x90000047  }
0x5c: {  	s0 =	sadd.s32 @!p0 $0x100000, s1;
	[bflag:$0x2] =	sbarrier.arrive $0xFFFF  }
0x5d: {  	[sflag:s0] =	ssyncadd.tile.s32 @!p0 $0x1;
	_ =	shalt  }
.Lfunc_end2:
_tile_overlayer_lowered:
.L_overlay_start_2:
0x5e: {  	(tag) =	ssettag $0x2  }
0x5f: {  	s0 =	rddreg [dreg:$0x0];
	s2 =	stileid.u32  }
0x60: {  	s1 =	rddreg [dreg:$0x1];
	p0 =	sne.s32 s2, $0x0  }
0x61: {  	s3 =	rddreg [dreg:$0x2];
	[bflag:$0x3] =	sbarrier.arrive $0xFFFF;
	s2 =	simm.s32 @!p0 $0x1C02  }
0x62: {  	[timem:s3], [sflag:s2] =	dma.local @!p0 [hbm:s0], s1  }
0x63: {  	s0 =	simm.s32 @!p0 $0x2  }
0x64: {  	_ =	swait.ge @!p0 [sflag:s0], s1  }
0x65: {  	s1 =	ssub.s32 @!p0 $0x0, s1;
	[sflag:s0] =	ssyncset.done @!p0 $0x0  }
0x66: {  	[sflag:s0] =	ssyncadd.s32 @!p0 s1  }
0x67: {  	[bflag:$0x3] =	sbarrier.arrive $0xFFFF  }
0x68: {  	_ =	shalt  }

</sc_bundles>
